<compile_context>
chip_gen: v7x
topology: tpu7x:2x2x1
jax: 0.10.2.dev20260603
libtpu: 0.0.44.dev20260713+nightly
codegen_flags: <defaults>
</compile_context>

<pallas_src>
import functools

import jax
import jax.numpy as jnp
from jax import lax
from jax.experimental import pallas as pl
from jax.experimental.pallas import tpu as pltpu
from jax.experimental.pallas import tpu_sc as plsc

NW = 32
BS = 512
NBUF = 2
L = 16


def _sc_body(n, c, rows_per_w, n_iter, x_hbm, params_hbm, out_hbm,
             xall, obuf, offs, cbuf, sem_in, sem_o0, sem_o1):
    cid = lax.axis_index("c")
    sid = lax.axis_index("s")
    wid = sid * 2 + cid
    row0 = wid * rows_per_w
    sems = (sem_o0, sem_o1)

    pltpu.sync_copy(params_hbm, cbuf)
    xcp = pltpu.async_copy(x_hbm.at[pl.ds(row0, rows_per_w)], xall, sem_in)

    lane = lax.iota(jnp.int32, L)
    low = cbuf[pl.ds(0, L)]
    inv_w = cbuf[pl.ds(L, L)]
    lane_c = lane * c
    zf = jnp.zeros((L,), jnp.float32)

    @pl.loop(0, NBUF * BS * c // L)
    def _(k):
        obuf[pl.ds(k * L, L)] = zf

    for b in range(NBUF):
        @pl.loop(0, BS // L)
        def _(g, _b=b):
            offs[pl.ds(_b * BS + g * L, L)] = _b * BS * c + g * (L * c) + lane_c

    xcp.wait()

    def fill(it, b):
        ob_base = b * BS * c

        @pl.loop(0, BS // L)
        def _(g):
            xv = xall[pl.ds(it * BS + g * L, L)]
            t = (xv - low) * inv_w
            ti = t.astype(jnp.int32)
            p = t - ti.astype(jnp.float32)
            ov = offs[pl.ds(b * BS + g * L, L)]
            plsc.store_scatter(obuf, [ov], zf)
            plsc.store_scatter(obuf, [ov + 1], zf)
            o = ob_base + g * (L * c) + lane_c + ti
            plsc.store_scatter(obuf, [o], 1.0 - p)
            plsc.store_scatter(obuf, [o + 1], p)
            offs[pl.ds(b * BS + g * L, L)] = o

        dst = (row0 + it * BS) * c
        pltpu.async_copy(obuf.at[pl.ds(ob_base, BS * c)],
                         out_hbm.at[pl.ds(dst, BS * c)], sems[b])

    def drain(b):
        pltpu.make_async_copy(obuf.at[pl.ds(b * BS * c, BS * c)],
                              out_hbm.at[pl.ds(0, BS * c)], sems[b]).wait()

    for b in range(NBUF):
        fill(b, b)

    @pl.loop(1, n_iter // NBUF)
    def _(j):
        for b in range(NBUF):
            drain(b)
            fill(j * NBUF + b, b)

    for b in range(NBUF):
        drain(b)


def kernel(inputs, centers):
    n = inputs.shape[0]
    c = centers.shape[0]
    rows_per_w = n // NW
    n_iter = rows_per_w // BS

    low = centers[0]
    inv_w = 1.0 / (centers[1] - centers[0])
    params = jnp.concatenate([jnp.broadcast_to(low, (L,)),
                              jnp.broadcast_to(inv_w, (L,))])

    body = functools.partial(_sc_body, n, c, rows_per_w, n_iter)
    f = pl.kernel(
        body,
        out_type=jax.ShapeDtypeStruct((n * c,), jnp.float32),
        mesh=plsc.VectorSubcoreMesh(core_axis_name="c", subcore_axis_name="s"),
        compiler_params=pltpu.CompilerParams(needs_layout_passes=False),
        scratch_types=[
            pltpu.VMEM((rows_per_w,), jnp.float32),
            pltpu.VMEM((NBUF * BS * c,), jnp.float32),
            pltpu.VMEM((NBUF * BS,), jnp.int32),
            pltpu.VMEM((2 * L,), jnp.float32),
            pltpu.SemaphoreType.DMA,
            pltpu.SemaphoreType.DMA,
            pltpu.SemaphoreType.DMA,
        ],
    )
    return f(inputs, params).reshape(n, c)

# --- scband reference (transcript-rebuilt; emitter-appended) ---
"""Pipeline reference for scband-proj-transform-13228499271728 (READ-ONLY COPY).

The authoritative reference and input builder live on the scoring server;
editing this copy changes nothing except your own understanding.
"""

import jax, jax.numpy as jnp
import numpy as np

N = 1048576
NUM_CENTERS = 65


def setup_inputs(seed: int = 0) -> dict:
    key = jax.random.key(seed)
    # targets uniform in [0, 1); centers span [0, 1] with width 1/64, so i+1 <= 64 is always in range
    inputs = jax.random.uniform(key, (N,), dtype=jnp.float32)
    centers = jnp.arange(NUM_CENTERS, dtype=jnp.float32) / 64.0  # non-trainable bin centers
    return {"inputs": inputs, "centers": centers}


def reference(inputs, centers):
    w = centers[1] - centers[0]
    low = centers[0]
    # bin index of the left neighbor center
    i = jnp.floor_divide(inputs - low, w).astype(jnp.int32)
    # gather the left center (tf.gather_nd on expanded dims == plain row gather)
    m = jnp.take(centers, i, axis=0)
    p = (inputs - m) / w
    n = inputs.shape[0]
    inds = jnp.arange(n, dtype=jnp.int32)
    # tf.scatter_nd accumulates; (row, i) and (row, i+1) are distinct so add == set here,
    # but we use .add to match tf.scatter_nd semantics exactly
    out = jnp.zeros((n, centers.shape[0]), dtype=inputs.dtype)
    out = out.at[inds, i].add(1.0 - p)
    out = out.at[inds, i + 1].add(p)
    return out

if __name__ == "__main__":
    import jax
    _d = setup_inputs()
    print(jax.jit(kernel)(*tuple(_d.values())))

</pallas_src>

<mosaic_0001>
#map = affine_map<(d0, d1) -> (0)>
module attributes {stable_mosaic.version = 14 : i64} {
  func.func @_sc_body(%arg0: i32, %arg1: i32, %arg2: memref<1048576xf32, #tpu.memory_space<hbm>>, %arg3: memref<32xf32, #tpu.memory_space<hbm>>, %arg4: memref<68157440xf32, #tpu.memory_space<hbm>>, %arg5: memref<32768xf32, #tpu.memory_space<vmem>>, %arg6: memref<66560xf32, #tpu.memory_space<vmem>>, %arg7: memref<1024xi32, #tpu.memory_space<vmem>>, %arg8: memref<32xf32, #tpu.memory_space<vmem>>, %arg9: memref<!tpu.dma_semaphore, #tpu.memory_space<semaphore_mem>>, %arg10: memref<!tpu.dma_semaphore, #tpu.memory_space<semaphore_mem>>, %arg11: memref<!tpu.dma_semaphore, #tpu.memory_space<semaphore_mem>>) attributes {dimension_semantics = [#tpu.dimension_semantics<core_parallel>, #tpu.dimension_semantics<subcore_parallel>], iteration_bounds = array<i64: 2, 16>, scalar_prefetch = 0 : i64, scratch_operands = 7 : i64, tpu.core_type = #tpu.core_type<sc_vector_subcore>, window_params = [{transform_indices = #map}, {transform_indices = #map}, {transform_indices = #map}]} {
    %mul3A = arith.constant 2 : i32
    %mul3A_0 = arith.muli %arg1, %mul3A : i32
    %add3A = arith.addi %mul3A_0, %arg0 : i32
    %mul3A_1 = arith.constant 32768 : i32
    %mul3A_2 = arith.muli %add3A, %mul3A_1 : i32
    "tpu.region"() ({
      %run_scoped3A = tpu.sem_alloc : memref<!tpu.dma_semaphore, #tpu.memory_space<semaphore_mem>>
      tpu.enqueue_dma source(%arg3 : memref<32xf32, #tpu.memory_space<hbm>>) target(%arg8 : memref<32xf32, #tpu.memory_space<vmem>>) target_semaphore(%run_scoped3A : memref<!tpu.dma_semaphore, #tpu.memory_space<semaphore_mem>>)
      tpu.wait_dma2 semaphore(%run_scoped3A : memref<!tpu.dma_semaphore, #tpu.memory_space<semaphore_mem>>) src(%arg3 : memref<32xf32, #tpu.memory_space<hbm>>) dst(%arg8 : memref<32xf32, #tpu.memory_space<vmem>>)
      tpu.yield
    }) : () -> ()
    %dma_start3A = tpu.memref_slice %arg2[%mul3A_2] : memref<1048576xf32, #tpu.memory_space<hbm>> -> memref<32768xf32, #tpu.memory_space<hbm>>
    %dma_start3A_3 = tpu.memref_slice %arg2[%mul3A_2] : memref<1048576xf32, #tpu.memory_space<hbm>> -> memref<32768xf32, #tpu.memory_space<hbm>>
    tpu.enqueue_dma source(%dma_start3A_3 : memref<32768xf32, #tpu.memory_space<hbm>>) target(%arg5 : memref<32768xf32, #tpu.memory_space<vmem>>) target_semaphore(%arg9 : memref<!tpu.dma_semaphore, #tpu.memory_space<semaphore_mem>>)
    %iota3A = tpu.iota {dimensions = array<i32: 0>} : vector<16xi32>
    %get3A = arith.constant 0 : index
    %get3A_4 = tpu.vector_load %arg8[%get3A] {strides = array<i32>} : memref<32xf32, #tpu.memory_space<vmem>>, vector<16xf32>,
    %get3A_5 = arith.constant 16 : index
    %get3A_6 = tpu.vector_load %arg8[%get3A_5] {strides = array<i32>} : memref<32xf32, #tpu.memory_space<vmem>>, vector<16xf32>,
    %mul3A_7 = arith.constant 65 : i32
    %mul3A_8 = vector.broadcast %mul3A_7 : i32 to vector<16xi32>
    %mul3A_9 = arith.muli %iota3A, %mul3A_8 : vector<16xi32>
    %broadcast_in_dim3A = arith.constant 0.000000e+00 : f32
    %broadcast_in_dim3A_10 = vector.broadcast %broadcast_in_dim3A : f32 to vector<16xf32>
    %scan3A = arith.constant 0 : i32
    %scan3A_11 = arith.constant 4160 : i32
    %scan3A_12 = arith.addi %scan3A, %scan3A_11 : i32
    %scan3A_13 = arith.constant 1 : i32
    scf.for %scan3A_77 = %scan3A to %scan3A_12 step %scan3A_13  : i32 {
      %mul3A_78 = arith.constant 1 : i32
      %mul3A_79 = arith.muli %scan3A_77, %mul3A_78 : i32
      %add3A_80 = arith.constant 0 : i32
      %add3A_81 = arith.addi %add3A_80, %mul3A_79 : i32
      %mul3A_82 = arith.constant 16 : i32
      %mul3A_83 = arith.muli %add3A_81, %mul3A_82 : i32
      %swap3A = arith.index_cast %mul3A_83 : i32 to index
      %swap3A_84 = tpu.vector_load %arg6[%swap3A] {strides = array<i32>} : memref<66560xf32, #tpu.memory_space<vmem>>, vector<16xf32>,
      tpu.vector_store %arg6[%swap3A], %broadcast_in_dim3A_10 {strides = array<i32>} : memref<66560xf32, #tpu.memory_space<vmem>>, vector<16xf32>,
    }
    %scan3A_14 = arith.constant 4160 : i32
    %scan3A_15 = arith.constant 0 : i32
    %scan3A_16 = arith.constant 32 : i32
    %scan3A_17 = arith.addi %scan3A_15, %scan3A_16 : i32
    %scan3A_18 = arith.constant 1 : i32
    scf.for %scan3A_77 = %scan3A_15 to %scan3A_17 step %scan3A_18  : i32 {
      %mul3A_78 = arith.constant 1 : i32
      %mul3A_79 = arith.muli %scan3A_77, %mul3A_78 : i32
      %add3A_80 = arith.constant 0 : i32
      %add3A_81 = arith.addi %add3A_80, %mul3A_79 : i32
      %mul3A_82 = arith.constant 1040 : i32
      %mul3A_83 = arith.muli %add3A_81, %mul3A_82 : i32
      %add3A_84 = arith.constant 0 : i32
      %add3A_85 = arith.addi %add3A_84, %mul3A_83 : i32
      %add3A_86 = vector.broadcast %add3A_85 : i32 to vector<16xi32>
      %add3A_87 = arith.addi %add3A_86, %mul3A_9 : vector<16xi32>
      %mul3A_88 = arith.constant 16 : i32
      %mul3A_89 = arith.muli %add3A_81, %mul3A_88 : i32
      %add3A_90 = arith.constant 0 : i32
      %add3A_91 = arith.addi %add3A_90, %mul3A_89 : i32
      %swap3A = arith.index_cast %add3A_91 : i32 to index
      %swap3A_92 = tpu.vector_load %arg7[%swap3A] {strides = array<i32>} : memref<1024xi32, #tpu.memory_space<vmem>>, vector<16xi32>,
      tpu.vector_store %arg7[%swap3A], %add3A_87 {strides = array<i32>} : memref<1024xi32, #tpu.memory_space<vmem>>, vector<16xi32>,
    }
    %scan3A_19 = arith.constant 32 : i32
    %scan3A_20 = arith.constant 0 : i32
    %scan3A_21 = arith.constant 32 : i32
    %scan3A_22 = arith.addi %scan3A_20, %scan3A_21 : i32
    %scan3A_23 = arith.constant 1 : i32
    scf.for %scan3A_77 = %scan3A_20 to %scan3A_22 step %scan3A_23  : i32 {
      %mul3A_78 = arith.constant 1 : i32
      %mul3A_79 = arith.muli %scan3A_77, %mul3A_78 : i32
      %add3A_80 = arith.constant 0 : i32
      %add3A_81 = arith.addi %add3A_80, %mul3A_79 : i32
      %mul3A_82 = arith.constant 1040 : i32
      %mul3A_83 = arith.muli %add3A_81, %mul3A_82 : i32
      %add3A_84 = arith.constant 33280 : i32
      %add3A_85 = arith.addi %add3A_84, %mul3A_83 : i32
      %add3A_86 = vector.broadcast %add3A_85 : i32 to vector<16xi32>
      %add3A_87 = arith.addi %add3A_86, %mul3A_9 : vector<16xi32>
      %mul3A_88 = arith.constant 16 : i32
      %mul3A_89 = arith.muli %add3A_81, %mul3A_88 : i32
      %add3A_90 = arith.constant 512 : i32
      %add3A_91 = arith.addi %add3A_90, %mul3A_89 : i32
      %swap3A = arith.index_cast %add3A_91 : i32 to index
      %swap3A_92 = tpu.vector_load %arg7[%swap3A] {strides = array<i32>} : memref<1024xi32, #tpu.memory_space<vmem>>, vector<16xi32>,
      tpu.vector_store %arg7[%swap3A], %add3A_87 {strides = array<i32>} : memref<1024xi32, #tpu.memory_space<vmem>>, vector<16xi32>,
    }
    %scan3A_24 = arith.constant 32 : i32
    %dma_wait3A = tpu.memref_slice %arg2[%mul3A_2] : memref<1048576xf32, #tpu.memory_space<hbm>> -> memref<32768xf32, #tpu.memory_space<hbm>>
    %dma_wait3A_25 = tpu.memref_slice %arg2[%mul3A_2] : memref<1048576xf32, #tpu.memory_space<hbm>> -> memref<32768xf32, #tpu.memory_space<hbm>>
    tpu.wait_dma2 semaphore(%arg9 : memref<!tpu.dma_semaphore, #tpu.memory_space<semaphore_mem>>) src(%dma_wait3A_25 : memref<32768xf32, #tpu.memory_space<hbm>>) dst(%arg5 : memref<32768xf32, #tpu.memory_space<vmem>>)
    %scan3A_26 = arith.constant 0 : i32
    %scan3A_27 = arith.constant 32 : i32
    %scan3A_28 = arith.addi %scan3A_26, %scan3A_27 : i32
    %scan3A_29 = arith.constant 1 : i32
    scf.for %scan3A_77 = %scan3A_26 to %scan3A_28 step %scan3A_29  : i32 {
      %mul3A_78 = arith.constant 1 : i32
      %mul3A_79 = arith.muli %scan3A_77, %mul3A_78 : i32
      %add3A_80 = arith.constant 0 : i32
      %add3A_81 = arith.addi %add3A_80, %mul3A_79 : i32
      %mul3A_82 = arith.constant 16 : i32
      %mul3A_83 = arith.muli %add3A_81, %mul3A_82 : i32
      %add3A_84 = arith.constant 0 : i32
      %add3A_85 = arith.addi %add3A_84, %mul3A_83 : i32
      %get3A_86 = arith.index_cast %add3A_85 : i32 to index
      %get3A_87 = tpu.vector_load %arg5[%get3A_86] {strides = array<i32>} : memref<32768xf32, #tpu.memory_space<vmem>>, vector<16xf32>,
      %sub3A = arith.subf %get3A_87, %get3A_4 : vector<16xf32>
      %mul3A_88 = arith.mulf %sub3A, %get3A_6 : vector<16xf32>
      %convert_element_type3A = arith.fptosi %mul3A_88 : vector<16xf32> to vector<16xi32>
      %convert_element_type3A_89 = arith.sitofp %convert_element_type3A : vector<16xi32> to vector<16xf32>
      %sub3A_90 = arith.subf %mul3A_88, %convert_element_type3A_89 : vector<16xf32>
      %mul3A_91 = arith.constant 16 : i32
      %mul3A_92 = arith.muli %add3A_81, %mul3A_91 : i32
      %add3A_93 = arith.constant 0 : i32
      %add3A_94 = arith.addi %add3A_93, %mul3A_92 : i32
      %get3A_95 = arith.index_cast %add3A_94 : i32 to index
      %get3A_96 = tpu.vector_load %arg7[%get3A_95] {strides = array<i32>} : memref<1024xi32, #tpu.memory_space<vmem>>, vector<16xi32>,
      tpu.vector_store_idx %arg6[%get3A_96], %broadcast_in_dim3A_10 : memref<66560xf32, #tpu.memory_space<vmem>>[vector<16xi32>], vector<16xf32>,
      %add3A_97 = arith.constant 1 : i32
      %add3A_98 = vector.broadcast %add3A_97 : i32 to vector<16xi32>
      %add3A_99 = arith.addi %get3A_96, %add3A_98 : vector<16xi32>
      tpu.vector_store_idx %arg6[%add3A_99], %broadcast_in_dim3A_10 : memref<66560xf32, #tpu.memory_space<vmem>>[vector<16xi32>], vector<16xf32>,
      %mul3A_100 = arith.constant 1040 : i32
      %mul3A_101 = arith.muli %add3A_81, %mul3A_100 : i32
      %add3A_102 = arith.constant 0 : i32
      %add3A_103 = arith.addi %add3A_102, %mul3A_101 : i32
      %add3A_104 = vector.broadcast %add3A_103 : i32 to vector<16xi32>
      %add3A_105 = arith.addi %add3A_104, %mul3A_9 : vector<16xi32>
      %add3A_106 = arith.addi %add3A_105, %convert_element_type3A : vector<16xi32>
      %sub3A_107 = arith.constant 1.000000e+00 : f32
      %sub3A_108 = vector.broadcast %sub3A_107 : f32 to vector<16xf32>
      %sub3A_109 = arith.subf %sub3A_108, %sub3A_90 : vector<16xf32>
      tpu.vector_store_idx %arg6[%add3A_106], %sub3A_109 : memref<66560xf32, #tpu.memory_space<vmem>>[vector<16xi32>], vector<16xf32>,
      %add3A_110 = arith.constant 1 : i32
      %add3A_111 = vector.broadcast %add3A_110 : i32 to vector<16xi32>
      %add3A_112 = arith.addi %add3A_106, %add3A_111 : vector<16xi32>
      tpu.vector_store_idx %arg6[%add3A_112], %sub3A_90 : memref<66560xf32, #tpu.memory_space<vmem>>[vector<16xi32>], vector<16xf32>,
      %mul3A_113 = arith.constant 16 : i32
      %mul3A_114 = arith.muli %add3A_81, %mul3A_113 : i32
      %add3A_115 = arith.constant 0 : i32
      %add3A_116 = arith.addi %add3A_115, %mul3A_114 : i32
      %swap3A = arith.index_cast %add3A_116 : i32 to index
      %swap3A_117 = tpu.vector_load %arg7[%swap3A] {strides = array<i32>} : memref<1024xi32, #tpu.memory_space<vmem>>, vector<16xi32>,
      tpu.vector_store %arg7[%swap3A], %add3A_106 {strides = array<i32>} : memref<1024xi32, #tpu.memory_space<vmem>>, vector<16xi32>,
    }
    %scan3A_30 = arith.constant 32 : i32
    %add3A_31 = arith.constant 0 : i32
    %add3A_32 = arith.addi %mul3A_2, %add3A_31 : i32
    %mul3A_33 = arith.constant 65 : i32
    %mul3A_34 = arith.muli %add3A_32, %mul3A_33 : i32
    %dma_start3A_35 = arith.constant 0 : i32
    %dma_start3A_36 = tpu.memref_slice %arg6[%dma_start3A_35] : memref<66560xf32, #tpu.memory_space<vmem>> -> memref<33280xf32, #tpu.memory_space<vmem>>
    %dma_start3A_37 = tpu.memref_slice %arg4[%mul3A_34] : memref<68157440xf32, #tpu.memory_space<hbm>> -> memref<33280xf32, #tpu.memory_space<hbm>>
    %dma_start3A_38 = tpu.memref_slice %arg4[%mul3A_34] : memref<68157440xf32, #tpu.memory_space<hbm>> -> memref<33280xf32, #tpu.memory_space<hbm>>
    %dma_start3A_39 = arith.constant 0 : i32
    %dma_start3A_40 = tpu.memref_slice %arg6[%dma_start3A_39] : memref<66560xf32, #tpu.memory_space<vmem>> -> memref<33280xf32, #tpu.memory_space<vmem>>
    tpu.enqueue_dma source(%dma_start3A_40 : memref<33280xf32, #tpu.memory_space<vmem>>) target(%dma_start3A_38 : memref<33280xf32, #tpu.memory_space<hbm>>) target_semaphore(%arg10 : memref<!tpu.dma_semaphore, #tpu.memory_space<semaphore_mem>>)
    %scan3A_41 = arith.constant 0 : i32
    %scan3A_42 = arith.constant 32 : i32
    %scan3A_43 = arith.addi %scan3A_41, %scan3A_42 : i32
    %scan3A_44 = arith.constant 1 : i32
    scf.for %scan3A_77 = %scan3A_41 to %scan3A_43 step %scan3A_44  : i32 {
      %mul3A_78 = arith.constant 1 : i32
      %mul3A_79 = arith.muli %scan3A_77, %mul3A_78 : i32
      %add3A_80 = arith.constant 0 : i32
      %add3A_81 = arith.addi %add3A_80, %mul3A_79 : i32
      %mul3A_82 = arith.constant 16 : i32
      %mul3A_83 = arith.muli %add3A_81, %mul3A_82 : i32
      %add3A_84 = arith.constant 512 : i32
      %add3A_85 = arith.addi %add3A_84, %mul3A_83 : i32
      %get3A_86 = arith.index_cast %add3A_85 : i32 to index
      %get3A_87 = tpu.vector_load %arg5[%get3A_86] {strides = array<i32>} : memref<32768xf32, #tpu.memory_space<vmem>>, vector<16xf32>,
      %sub3A = arith.subf %get3A_87, %get3A_4 : vector<16xf32>
      %mul3A_88 = arith.mulf %sub3A, %get3A_6 : vector<16xf32>
      %convert_element_type3A = arith.fptosi %mul3A_88 : vector<16xf32> to vector<16xi32>
      %convert_element_type3A_89 = arith.sitofp %convert_element_type3A : vector<16xi32> to vector<16xf32>
      %sub3A_90 = arith.subf %mul3A_88, %convert_element_type3A_89 : vector<16xf32>
      %mul3A_91 = arith.constant 16 : i32
      %mul3A_92 = arith.muli %add3A_81, %mul3A_91 : i32
      %add3A_93 = arith.constant 512 : i32
      %add3A_94 = arith.addi %add3A_93, %mul3A_92 : i32
      %get3A_95 = arith.index_cast %add3A_94 : i32 to index
      %get3A_96 = tpu.vector_load %arg7[%get3A_95] {strides = array<i32>} : memref<1024xi32, #tpu.memory_space<vmem>>, vector<16xi32>,
      tpu.vector_store_idx %arg6[%get3A_96], %broadcast_in_dim3A_10 : memref<66560xf32, #tpu.memory_space<vmem>>[vector<16xi32>], vector<16xf32>,
      %add3A_97 = arith.constant 1 : i32
      %add3A_98 = vector.broadcast %add3A_97 : i32 to vector<16xi32>
      %add3A_99 = arith.addi %get3A_96, %add3A_98 : vector<16xi32>
      tpu.vector_store_idx %arg6[%add3A_99], %broadcast_in_dim3A_10 : memref<66560xf32, #tpu.memory_space<vmem>>[vector<16xi32>], vector<16xf32>,
      %mul3A_100 = arith.constant 1040 : i32
      %mul3A_101 = arith.muli %add3A_81, %mul3A_100 : i32
      %add3A_102 = arith.constant 33280 : i32
      %add3A_103 = arith.addi %add3A_102, %mul3A_101 : i32
      %add3A_104 = vector.broadcast %add3A_103 : i32 to vector<16xi32>
      %add3A_105 = arith.addi %add3A_104, %mul3A_9 : vector<16xi32>
      %add3A_106 = arith.addi %add3A_105, %convert_element_type3A : vector<16xi32>
      %sub3A_107 = arith.constant 1.000000e+00 : f32
      %sub3A_108 = vector.broadcast %sub3A_107 : f32 to vector<16xf32>
      %sub3A_109 = arith.subf %sub3A_108, %sub3A_90 : vector<16xf32>
      tpu.vector_store_idx %arg6[%add3A_106], %sub3A_109 : memref<66560xf32, #tpu.memory_space<vmem>>[vector<16xi32>], vector<16xf32>,
      %add3A_110 = arith.constant 1 : i32
      %add3A_111 = vector.broadcast %add3A_110 : i32 to vector<16xi32>
      %add3A_112 = arith.addi %add3A_106, %add3A_111 : vector<16xi32>
      tpu.vector_store_idx %arg6[%add3A_112], %sub3A_90 : memref<66560xf32, #tpu.memory_space<vmem>>[vector<16xi32>], vector<16xf32>,
      %mul3A_113 = arith.constant 16 : i32
      %mul3A_114 = arith.muli %add3A_81, %mul3A_113 : i32
      %add3A_115 = arith.constant 512 : i32
      %add3A_116 = arith.addi %add3A_115, %mul3A_114 : i32
      %swap3A = arith.index_cast %add3A_116 : i32 to index
      %swap3A_117 = tpu.vector_load %arg7[%swap3A] {strides = array<i32>} : memref<1024xi32, #tpu.memory_space<vmem>>, vector<16xi32>,
      tpu.vector_store %arg7[%swap3A], %add3A_106 {strides = array<i32>} : memref<1024xi32, #tpu.memory_space<vmem>>, vector<16xi32>,
    }
    %scan3A_45 = arith.constant 32 : i32
    %add3A_46 = arith.constant 512 : i32
    %add3A_47 = arith.addi %mul3A_2, %add3A_46 : i32
    %mul3A_48 = arith.constant 65 : i32
    %mul3A_49 = arith.muli %add3A_47, %mul3A_48 : i32
    %dma_start3A_50 = arith.constant 33280 : i32
    %dma_start3A_51 = tpu.memref_slice %arg6[%dma_start3A_50] : memref<66560xf32, #tpu.memory_space<vmem>> -> memref<33280xf32, #tpu.memory_space<vmem>>
    %dma_start3A_52 = tpu.memref_slice %arg4[%mul3A_49] : memref<68157440xf32, #tpu.memory_space<hbm>> -> memref<33280xf32, #tpu.memory_space<hbm>>
    %dma_start3A_53 = tpu.memref_slice %arg4[%mul3A_49] : memref<68157440xf32, #tpu.memory_space<hbm>> -> memref<33280xf32, #tpu.memory_space<hbm>>
    %dma_start3A_54 = arith.constant 33280 : i32
    %dma_start3A_55 = tpu.memref_slice %arg6[%dma_start3A_54] : memref<66560xf32, #tpu.memory_space<vmem>> -> memref<33280xf32, #tpu.memory_space<vmem>>
    tpu.enqueue_dma source(%dma_start3A_55 : memref<33280xf32, #tpu.memory_space<vmem>>) target(%dma_start3A_53 : memref<33280xf32, #tpu.memory_space<hbm>>) target_semaphore(%arg11 : memref<!tpu.dma_semaphore, #tpu.memory_space<semaphore_mem>>)
    %scan3A_56 = arith.constant 0 : i32
    %scan3A_57 = arith.constant 31 : i32
    %scan3A_58 = arith.addi %scan3A_56, %scan3A_57 : i32
    %scan3A_59 = arith.constant 1 : i32
    scf.for %scan3A_77 = %scan3A_56 to %scan3A_58 step %scan3A_59  : i32 {
      %mul3A_78 = arith.constant 1 : i32
      %mul3A_79 = arith.muli %scan3A_77, %mul3A_78 : i32
      %add3A_80 = arith.constant 1 : i32
      %add3A_81 = arith.addi %add3A_80, %mul3A_79 : i32
      %dma_wait3A_82 = arith.constant 0 : i32
      %dma_wait3A_83 = tpu.memref_slice %arg6[%dma_wait3A_82] : memref<66560xf32, #tpu.memory_space<vmem>> -> memref<33280xf32, #tpu.memory_space<vmem>>
      %dma_wait3A_84 = arith.constant 0 : i32
      %dma_wait3A_85 = tpu.memref_slice %arg4[%dma_wait3A_84] : memref<68157440xf32, #tpu.memory_space<hbm>> -> memref<33280xf32, #tpu.memory_space<hbm>>
      %dma_wait3A_86 = arith.constant 0 : i32
      %dma_wait3A_87 = tpu.memref_slice %arg4[%dma_wait3A_86] : memref<68157440xf32, #tpu.memory_space<hbm>> -> memref<33280xf32, #tpu.memory_space<hbm>>
      %dma_wait3A_88 = arith.constant 0 : i32
      %dma_wait3A_89 = tpu.memref_slice %arg6[%dma_wait3A_88] : memref<66560xf32, #tpu.memory_space<vmem>> -> memref<33280xf32, #tpu.memory_space<vmem>>
      tpu.wait_dma2 semaphore(%arg10 : memref<!tpu.dma_semaphore, #tpu.memory_space<semaphore_mem>>) src(%dma_wait3A_89 : memref<33280xf32, #tpu.memory_space<vmem>>) dst(%dma_wait3A_87 : memref<33280xf32, #tpu.memory_space<hbm>>)
      %mul3A_90 = arith.constant 2 : i32
      %mul3A_91 = arith.muli %add3A_81, %mul3A_90 : i32
      %add3A_92 = arith.constant 0 : i32
      %add3A_93 = arith.addi %mul3A_91, %add3A_92 : i32
      %scan3A_94 = arith.constant 0 : i32
      %scan3A_95 = arith.constant 32 : i32
      %scan3A_96 = arith.addi %scan3A_94, %scan3A_95 : i32
      %scan3A_97 = arith.constant 1 : i32
      scf.for %scan3A_138 = %scan3A_94 to %scan3A_96 step %scan3A_97  : i32 {
        %mul3A_139 = arith.constant 1 : i32
        %mul3A_140 = arith.muli %scan3A_138, %mul3A_139 : i32
        %add3A_141 = arith.constant 0 : i32
        %add3A_142 = arith.addi %add3A_141, %mul3A_140 : i32
        %mul3A_143 = arith.constant 512 : i32
        %mul3A_144 = arith.muli %add3A_93, %mul3A_143 : i32
        %mul3A_145 = arith.constant 16 : i32
        %mul3A_146 = arith.muli %add3A_142, %mul3A_145 : i32
        %add3A_147 = arith.addi %mul3A_144, %mul3A_146 : i32
        %get3A_148 = arith.index_cast %add3A_147 : i32 to index
        %get3A_149 = tpu.vector_load %arg5[%get3A_148] {strides = array<i32>} : memref<32768xf32, #tpu.memory_space<vmem>>, vector<16xf32>,
        %sub3A = arith.subf %get3A_149, %get3A_4 : vector<16xf32>
        %mul3A_150 = arith.mulf %sub3A, %get3A_6 : vector<16xf32>
        %convert_element_type3A = arith.fptosi %mul3A_150 : vector<16xf32> to vector<16xi32>
        %convert_element_type3A_151 = arith.sitofp %convert_element_type3A : vector<16xi32> to vector<16xf32>
        %sub3A_152 = arith.subf %mul3A_150, %convert_element_type3A_151 : vector<16xf32>
        %mul3A_153 = arith.constant 16 : i32
        %mul3A_154 = arith.muli %add3A_142, %mul3A_153 : i32
        %add3A_155 = arith.constant 0 : i32
        %add3A_156 = arith.addi %add3A_155, %mul3A_154 : i32
        %get3A_157 = arith.index_cast %add3A_156 : i32 to index
        %get3A_158 = tpu.vector_load %arg7[%get3A_157] {strides = array<i32>} : memref<1024xi32, #tpu.memory_space<vmem>>, vector<16xi32>,
        tpu.vector_store_idx %arg6[%get3A_158], %broadcast_in_dim3A_10 : memref<66560xf32, #tpu.memory_space<vmem>>[vector<16xi32>], vector<16xf32>,
        %add3A_159 = arith.constant 1 : i32
        %add3A_160 = vector.broadcast %add3A_159 : i32 to vector<16xi32>
        %add3A_161 = arith.addi %get3A_158, %add3A_160 : vector<16xi32>
        tpu.vector_store_idx %arg6[%add3A_161], %broadcast_in_dim3A_10 : memref<66560xf32, #tpu.memory_space<vmem>>[vector<16xi32>], vector<16xf32>,
        %mul3A_162 = arith.constant 1040 : i32
        %mul3A_163 = arith.muli %add3A_142, %mul3A_162 : i32
        %add3A_164 = arith.constant 0 : i32
        %add3A_165 = arith.addi %add3A_164, %mul3A_163 : i32
        %add3A_166 = vector.broadcast %add3A_165 : i32 to vector<16xi32>
        %add3A_167 = arith.addi %add3A_166, %mul3A_9 : vector<16xi32>
        %add3A_168 = arith.addi %add3A_167, %convert_element_type3A : vector<16xi32>
        %sub3A_169 = arith.constant 1.000000e+00 : f32
        %sub3A_170 = vector.broadcast %sub3A_169 : f32 to vector<16xf32>
        %sub3A_171 = arith.subf %sub3A_170, %sub3A_152 : vector<16xf32>
        tpu.vector_store_idx %arg6[%add3A_168], %sub3A_171 : memref<66560xf32, #tpu.memory_space<vmem>>[vector<16xi32>], vector<16xf32>,
        %add3A_172 = arith.constant 1 : i32
        %add3A_173 = vector.broadcast %add3A_172 : i32 to vector<16xi32>
        %add3A_174 = arith.addi %add3A_168, %add3A_173 : vector<16xi32>
        tpu.vector_store_idx %arg6[%add3A_174], %sub3A_152 : memref<66560xf32, #tpu.memory_space<vmem>>[vector<16xi32>], vector<16xf32>,
        %mul3A_175 = arith.constant 16 : i32
        %mul3A_176 = arith.muli %add3A_142, %mul3A_175 : i32
        %add3A_177 = arith.constant 0 : i32
        %add3A_178 = arith.addi %add3A_177, %mul3A_176 : i32
        %swap3A = arith.index_cast %add3A_178 : i32 to index
        %swap3A_179 = tpu.vector_load %arg7[%swap3A] {strides = array<i32>} : memref<1024xi32, #tpu.memory_space<vmem>>, vector<16xi32>,
        tpu.vector_store %arg7[%swap3A], %add3A_168 {strides = array<i32>} : memref<1024xi32, #tpu.memory_space<vmem>>, vector<16xi32>,
      }
      %scan3A_98 = arith.constant 32 : i32
      %mul3A_99 = arith.constant 512 : i32
      %mul3A_100 = arith.muli %add3A_93, %mul3A_99 : i32
      %add3A_101 = arith.addi %mul3A_2, %mul3A_100 : i32
      %mul3A_102 = arith.constant 65 : i32
      %mul3A_103 = arith.muli %add3A_101, %mul3A_102 : i32
      %dma_start3A_104 = arith.constant 0 : i32
      %dma_start3A_105 = tpu.memref_slice %arg6[%dma_start3A_104] : memref<66560xf32, #tpu.memory_space<vmem>> -> memref<33280xf32, #tpu.memory_space<vmem>>
      %dma_start3A_106 = tpu.memref_slice %arg4[%mul3A_103] : memref<68157440xf32, #tpu.memory_space<hbm>> -> memref<33280xf32, #tpu.memory_space<hbm>>
      %dma_start3A_107 = tpu.memref_slice %arg4[%mul3A_103] : memref<68157440xf32, #tpu.memory_space<hbm>> -> memref<33280xf32, #tpu.memory_space<hbm>>
      %dma_start3A_108 = arith.constant 0 : i32
      %dma_start3A_109 = tpu.memref_slice %arg6[%dma_start3A_108] : memref<66560xf32, #tpu.memory_space<vmem>> -> memref<33280xf32, #tpu.memory_space<vmem>>
      tpu.enqueue_dma source(%dma_start3A_109 : memref<33280xf32, #tpu.memory_space<vmem>>) target(%dma_start3A_107 : memref<33280xf32, #tpu.memory_space<hbm>>) target_semaphore(%arg10 : memref<!tpu.dma_semaphore, #tpu.memory_space<semaphore_mem>>)
      %dma_wait3A_110 = arith.constant 33280 : i32
      %dma_wait3A_111 = tpu.memref_slice %arg6[%dma_wait3A_110] : memref<66560xf32, #tpu.memory_space<vmem>> -> memref<33280xf32, #tpu.memory_space<vmem>>
      %dma_wait3A_112 = arith.constant 0 : i32
      %dma_wait3A_113 = tpu.memref_slice %arg4[%dma_wait3A_112] : memref<68157440xf32, #tpu.memory_space<hbm>> -> memref<33280xf32, #tpu.memory_space<hbm>>
      %dma_wait3A_114 = arith.constant 0 : i32
      %dma_wait3A_115 = tpu.memref_slice %arg4[%dma_wait3A_114] : memref<68157440xf32, #tpu.memory_space<hbm>> -> memref<33280xf32, #tpu.memory_space<hbm>>
      %dma_wait3A_116 = arith.constant 33280 : i32
      %dma_wait3A_117 = tpu.memref_slice %arg6[%dma_wait3A_116] : memref<66560xf32, #tpu.memory_space<vmem>> -> memref<33280xf32, #tpu.memory_space<vmem>>
      tpu.wait_dma2 semaphore(%arg11 : memref<!tpu.dma_semaphore, #tpu.memory_space<semaphore_mem>>) src(%dma_wait3A_117 : memref<33280xf32, #tpu.memory_space<vmem>>) dst(%dma_wait3A_115 : memref<33280xf32, #tpu.memory_space<hbm>>)
      %mul3A_118 = arith.constant 2 : i32
      %mul3A_119 = arith.muli %add3A_81, %mul3A_118 : i32
      %add3A_120 = arith.constant 1 : i32
      %add3A_121 = arith.addi %mul3A_119, %add3A_120 : i32
      %scan3A_122 = arith.constant 0 : i32
      %scan3A_123 = arith.constant 32 : i32
      %scan3A_124 = arith.addi %scan3A_122, %scan3A_123 : i32
      %scan3A_125 = arith.constant 1 : i32
      scf.for %scan3A_138 = %scan3A_122 to %scan3A_124 step %scan3A_125  : i32 {
        %mul3A_139 = arith.constant 1 : i32
        %mul3A_140 = arith.muli %scan3A_138, %mul3A_139 : i32
        %add3A_141 = arith.constant 0 : i32
        %add3A_142 = arith.addi %add3A_141, %mul3A_140 : i32
        %mul3A_143 = arith.constant 512 : i32
        %mul3A_144 = arith.muli %add3A_121, %mul3A_143 : i32
        %mul3A_145 = arith.constant 16 : i32
        %mul3A_146 = arith.muli %add3A_142, %mul3A_145 : i32
        %add3A_147 = arith.addi %mul3A_144, %mul3A_146 : i32
        %get3A_148 = arith.index_cast %add3A_147 : i32 to index
        %get3A_149 = tpu.vector_load %arg5[%get3A_148] {strides = array<i32>} : memref<32768xf32, #tpu.memory_space<vmem>>, vector<16xf32>,
        %sub3A = arith.subf %get3A_149, %get3A_4 : vector<16xf32>
        %mul3A_150 = arith.mulf %sub3A, %get3A_6 : vector<16xf32>
        %convert_element_type3A = arith.fptosi %mul3A_150 : vector<16xf32> to vector<16xi32>
        %convert_element_type3A_151 = arith.sitofp %convert_element_type3A : vector<16xi32> to vector<16xf32>
        %sub3A_152 = arith.subf %mul3A_150, %convert_element_type3A_151 : vector<16xf32>
        %mul3A_153 = arith.constant 16 : i32
        %mul3A_154 = arith.muli %add3A_142, %mul3A_153 : i32
        %add3A_155 = arith.constant 512 : i32
        %add3A_156 = arith.addi %add3A_155, %mul3A_154 : i32
        %get3A_157 = arith.index_cast %add3A_156 : i32 to index
        %get3A_158 = tpu.vector_load %arg7[%get3A_157] {strides = array<i32>} : memref<1024xi32, #tpu.memory_space<vmem>>, vector<16xi32>,
        tpu.vector_store_idx %arg6[%get3A_158], %broadcast_in_dim3A_10 : memref<66560xf32, #tpu.memory_space<vmem>>[vector<16xi32>], vector<16xf32>,
        %add3A_159 = arith.constant 1 : i32
        %add3A_160 = vector.broadcast %add3A_159 : i32 to vector<16xi32>
        %add3A_161 = arith.addi %get3A_158, %add3A_160 : vector<16xi32>
        tpu.vector_store_idx %arg6[%add3A_161], %broadcast_in_dim3A_10 : memref<66560xf32, #tpu.memory_space<vmem>>[vector<16xi32>], vector<16xf32>,
        %mul3A_162 = arith.constant 1040 : i32
        %mul3A_163 = arith.muli %add3A_142, %mul3A_162 : i32
        %add3A_164 = arith.constant 33280 : i32
        %add3A_165 = arith.addi %add3A_164, %mul3A_163 : i32
        %add3A_166 = vector.broadcast %add3A_165 : i32 to vector<16xi32>
        %add3A_167 = arith.addi %add3A_166, %mul3A_9 : vector<16xi32>
        %add3A_168 = arith.addi %add3A_167, %convert_element_type3A : vector<16xi32>
        %sub3A_169 = arith.constant 1.000000e+00 : f32
        %sub3A_170 = vector.broadcast %sub3A_169 : f32 to vector<16xf32>
        %sub3A_171 = arith.subf %sub3A_170, %sub3A_152 : vector<16xf32>
        tpu.vector_store_idx %arg6[%add3A_168], %sub3A_171 : memref<66560xf32, #tpu.memory_space<vmem>>[vector<16xi32>], vector<16xf32>,
        %add3A_172 = arith.constant 1 : i32
        %add3A_173 = vector.broadcast %add3A_172 : i32 to vector<16xi32>
        %add3A_174 = arith.addi %add3A_168, %add3A_173 : vector<16xi32>
        tpu.vector_store_idx %arg6[%add3A_174], %sub3A_152 : memref<66560xf32, #tpu.memory_space<vmem>>[vector<16xi32>], vector<16xf32>,
        %mul3A_175 = arith.constant 16 : i32
        %mul3A_176 = arith.muli %add3A_142, %mul3A_175 : i32
        %add3A_177 = arith.constant 512 : i32
        %add3A_178 = arith.addi %add3A_177, %mul3A_176 : i32
        %swap3A = arith.index_cast %add3A_178 : i32 to index
        %swap3A_179 = tpu.vector_load %arg7[%swap3A] {strides = array<i32>} : memref<1024xi32, #tpu.memory_space<vmem>>, vector<16xi32>,
        tpu.vector_store %arg7[%swap3A], %add3A_168 {strides = array<i32>} : memref<1024xi32, #tpu.memory_space<vmem>>, vector<16xi32>,
      }
      %scan3A_126 = arith.constant 32 : i32
      %mul3A_127 = arith.constant 512 : i32
      %mul3A_128 = arith.muli %add3A_121, %mul3A_127 : i32
      %add3A_129 = arith.addi %mul3A_2, %mul3A_128 : i32
      %mul3A_130 = arith.constant 65 : i32
      %mul3A_131 = arith.muli %add3A_129, %mul3A_130 : i32
      %dma_start3A_132 = arith.constant 33280 : i32
      %dma_start3A_133 = tpu.memref_slice %arg6[%dma_start3A_132] : memref<66560xf32, #tpu.memory_space<vmem>> -> memref<33280xf32, #tpu.memory_space<vmem>>
      %dma_start3A_134 = tpu.memref_slice %arg4[%mul3A_131] : memref<68157440xf32, #tpu.memory_space<hbm>> -> memref<33280xf32, #tpu.memory_space<hbm>>
      %dma_start3A_135 = tpu.memref_slice %arg4[%mul3A_131] : memref<68157440xf32, #tpu.memory_space<hbm>> -> memref<33280xf32, #tpu.memory_space<hbm>>
      %dma_start3A_136 = arith.constant 33280 : i32
      %dma_start3A_137 = tpu.memref_slice %arg6[%dma_start3A_136] : memref<66560xf32, #tpu.memory_space<vmem>> -> memref<33280xf32, #tpu.memory_space<vmem>>
      tpu.enqueue_dma source(%dma_start3A_137 : memref<33280xf32, #tpu.memory_space<vmem>>) target(%dma_start3A_135 : memref<33280xf32, #tpu.memory_space<hbm>>) target_semaphore(%arg11 : memref<!tpu.dma_semaphore, #tpu.memory_space<semaphore_mem>>)
    }
    %scan3A_60 = arith.constant 31 : i32
    %dma_wait3A_61 = arith.constant 0 : i32
    %dma_wait3A_62 = tpu.memref_slice %arg6[%dma_wait3A_61] : memref<66560xf32, #tpu.memory_space<vmem>> -> memref<33280xf32, #tpu.memory_space<vmem>>
    %dma_wait3A_63 = arith.constant 0 : i32
    %dma_wait3A_64 = tpu.memref_slice %arg4[%dma_wait3A_63] : memref<68157440xf32, #tpu.memory_space<hbm>> -> memref<33280xf32, #tpu.memory_space<hbm>>
    %dma_wait3A_65 = arith.constant 0 : i32
    %dma_wait3A_66 = tpu.memref_slice %arg4[%dma_wait3A_65] : memref<68157440xf32, #tpu.memory_space<hbm>> -> memref<33280xf32, #tpu.memory_space<hbm>>
    %dma_wait3A_67 = arith.constant 0 : i32
    %dma_wait3A_68 = tpu.memref_slice %arg6[%dma_wait3A_67] : memref<66560xf32, #tpu.memory_space<vmem>> -> memref<33280xf32, #tpu.memory_space<vmem>>
    tpu.wait_dma2 semaphore(%arg10 : memref<!tpu.dma_semaphore, #tpu.memory_space<semaphore_mem>>) src(%dma_wait3A_68 : memref<33280xf32, #tpu.memory_space<vmem>>) dst(%dma_wait3A_66 : memref<33280xf32, #tpu.memory_space<hbm>>)
    %dma_wait3A_69 = arith.constant 33280 : i32
    %dma_wait3A_70 = tpu.memref_slice %arg6[%dma_wait3A_69] : memref<66560xf32, #tpu.memory_space<vmem>> -> memref<33280xf32, #tpu.memory_space<vmem>>
    %dma_wait3A_71 = arith.constant 0 : i32
    %dma_wait3A_72 = tpu.memref_slice %arg4[%dma_wait3A_71] : memref<68157440xf32, #tpu.memory_space<hbm>> -> memref<33280xf32, #tpu.memory_space<hbm>>
    %dma_wait3A_73 = arith.constant 0 : i32
    %dma_wait3A_74 = tpu.memref_slice %arg4[%dma_wait3A_73] : memref<68157440xf32, #tpu.memory_space<hbm>> -> memref<33280xf32, #tpu.memory_space<hbm>>
    %dma_wait3A_75 = arith.constant 33280 : i32
    %dma_wait3A_76 = tpu.memref_slice %arg6[%dma_wait3A_75] : memref<66560xf32, #tpu.memory_space<vmem>> -> memref<33280xf32, #tpu.memory_space<vmem>>
    tpu.wait_dma2 semaphore(%arg11 : memref<!tpu.dma_semaphore, #tpu.memory_space<semaphore_mem>>) src(%dma_wait3A_76 : memref<33280xf32, #tpu.memory_space<vmem>>) dst(%dma_wait3A_74 : memref<33280xf32, #tpu.memory_space<hbm>>)
    return
  }
}

</mosaic_0001>

<sc_bundles>
// kernel: kernel.3.cloned.1.call-start
scs
__scs_entry_jumppad:
0x0: {  	(pc) =	sbr.rel $0x88, $3  }
0x1: {  	(tag) =	ssettag $0x0;
	lr =	simm.s32 $0x1  }
0x2: {  	[smem:$0x3F9F] =	sst lr;
	_ =	strace $0xD0000000  }
0x3: {  	_ = 	snop  }
0x4: {  	_ = 	snop  }
0x5: {  	_ = 	snop  }
0x6: {  	_ = 	snop  }
0x7: {  	_ = 	snop  }
__scs_overlays_trampoline_lowered:
0x8: {  	[smem:$0x3FAE] =	sst s0  }
0x9: {  	[smem:$0x3FAF] =	sst s1  }
0xa: {  	[smem:$0x3FB0] =	sst s2  }
0xb: {  	[smem:$0x3FB1] =	sst s3  }
0xc: {  	[smem:$0x3FB2] =	sst s4  }
0xd: {  	[smem:$0x3FB3] =	sst s5  }
0xe: {  	[smem:$0x3FB4] =	sst s6  }
0xf: {  	[smem:$0x3FB5] =	sst s7  }
0x10: {  	[smem:$0x3FB6] =	sst s8  }
0x11: {  	[smem:$0x3FB7] =	sst s9;
	s0 =	simm.s32 @!p0 $0x0  }
0x12: {  	s1 =	sld [smem:$0x3F9D];
	s0 =	simm.s32 @p0 $0x1  }
0x13: {  	[smem:$0x3FB8] =	sst s0;
	s0 =	simm.s32 @!p1 $0x0  }
0x14: {  	s2 =	sld [smem:$0x3F9C];
	s0 =	simm.s32 @p1 $0x1  }
0x15: {  	[smem:$0x3FB9] =	sst s0;
	s0 =	simm.s32 @!p2 $0x0  }
0x16: {  	s3 =	sld [smem:$0x3FDB];
	s0 =	simm.s32 @p2 $0x1  }
0x17: {  	s4 =	simm.s32 $0x1BF5;
	[smem:$0x3FBB] =	sst s0  }
0x18: {  	s0 =	sld [smem:$0x3F9E];
	_ =	swait.ge [sflag:s4], $0x0  }
0x19: {  	s7 =	sld [smem:$0x3F9F]  }
0x1a: {  	s8 =	sadd.s32 $0xFFFFE003, lr  }
0x1b: {  	s9 =	sadd.s32 $0xFFFFFEF7, lr;
	s5 =	simm.s32 $0xFFFFFFFF;
	p2 =	slt.u32 s8, $0xFFFFF086  }
0x1c: {  	p1 =	slt.u32 s9, $0xF7A;
	s5 =	simm.s32 @!p2 $0x0  }
0x1d: {  	s5 =	simm.s32 @p1 $0x1;
	p0 =	seq.s32 s7, s2  }
0x1e: {  	s7 =	smul.u32 @!p0 $0xF7A, s2;
	p2 =	seq.s32 @!p0 s5, $0x0  }
0x1f: {  	s9 =	smul.u32 $0xF7A, s1;
	s8 =	simm.s32 @!p0 $0x1BF5;
	p2 =	por !p2, p0  }
0x20: {  	[sflag:s8] =	ssyncset.s32 @!p0 $0xFFFFF086;
	s6 =	sadd.s32 @!p0 s3, s7;
	s7 =	simm.s32 @!p0 $0x108  }
0x21: {  	s3 =	sadd.s32 s3, s9;
	s6 =	sadd.s32 @!p0 $0x88, s6;
	s7 =	simm.s32 @p2 $0x1082  }
0x22: {  	[simem:s7], [sflag:s8] =	dma.local @!p0 [hbm:s6], $0xF7A  }
0x23: {  	s9 =	sor.u32 $0xD0000000, s2;
	s6 =	simm.s32 $0x108;
	_ =	swait.ge @!p0 [sflag:s8], $0x0  }
0x24: {  	s3 =	sadd.s32 $0x88, s3;
	s6 =	simm.s32 @!p1 $0x1082;
	[sflag:s4] =	ssyncset.s32 $0xFFFFF086  }
0x25: {  	[simem:s6], [sflag:s4] =	dma.local [hbm:s3], $0xF7A  }
0x26: {  	[smem:$0x3F9F] =	sst s1;
	(tag) =	ssettag s2;
	_ =	strace s9  }
0x27: {  	s1 =	sld [smem:$0x3FAF]  }
0x28: {  	s2 =	sld [smem:$0x3FB0]  }
0x29: {  	s4 =	sld [smem:$0x3FB2]  }
0x2a: {  	p0 =	seq.s32 s5, $0x0;
	s5 =	sld [smem:$0x3FB3]  }
0x2b: {  	s6 =	sld [smem:$0x3FB4]  }
0x2c: {  	s7 =	sld [smem:$0x3FB5]  }
0x2d: {  	s3 =	simm.s32 $0x108;
	s8 =	sld [smem:$0x3FB6]  }
0x2e: {  	s3 =	simm.s32 @!p0 $0x1082;
	s9 =	sld [smem:$0x3FB7]  }
0x2f: {  	lr =	sadd.s32 s0, s3;
	s0 =	sld [smem:$0x3FAE]  }
0x30: {  	s3 =	sld [smem:$0x3FB1]  }
0x31: {  	[smem:$0x3FBA] =	sst s10  }
0x32: {  	s10 =	sld [smem:$0x3FB8];
	_ =	sdelay $0x3  }
0x33: {  	p0 =	seq.s32 s10, $0x1;
	s10 =	sld [smem:$0x3FBA];
	_ =	sdelay $0x3  }
0x34: {  	[smem:$0x3FBA] =	sst s10  }
0x35: {  	s10 =	sld [smem:$0x3FB9];
	_ =	sdelay $0x3  }
0x36: {  	p1 =	seq.s32 s10, $0x1;
	s10 =	sld [smem:$0x3FBA];
	_ =	sdelay $0x3  }
0x37: {  	[smem:$0x3FBA] =	sst s10  }
0x38: {  	s10 =	sld [smem:$0x3FBB]  }
0x39: {  	_ = 	snop;
	(pc) =	sbr.ind lr, $3  }
0x3a: {  	_ = 	snop  }
0x3b: {  	_ = 	snop  }
0x3c: {  	p2 =	seq.s32 s10, $0x1;
	s10 =	sld [smem:$0x3FBA]  }
0x3d: {  	_ =	shalt  }
0x3e: {  	_ =	shalt  }
0x3f: {  	_ =	shalt  }
0x40: {  	_ =	shalt  }
0x41: {  	_ =	shalt  }
0x42: {  	_ =	shalt  }
0x43: {  	_ =	shalt  }
0x44: {  	_ =	shalt  }
0x45: {  	_ =	shalt  }
0x46: {  	_ =	shalt  }
0x47: {  	_ =	shalt  }
0x48: {  	_ =	shalt  }
0x49: {  	_ =	shalt  }
0x4a: {  	_ =	shalt  }
0x4b: {  	_ =	shalt  }
0x4c: {  	_ =	shalt  }
0x4d: {  	_ =	shalt  }
0x4e: {  	_ =	shalt  }
0x4f: {  	_ =	shalt  }
0x50: {  	_ =	shalt  }
0x51: {  	_ =	shalt  }
0x52: {  	_ =	shalt  }
0x53: {  	_ =	shalt  }
0x54: {  	_ =	shalt  }
0x55: {  	_ =	shalt  }
0x56: {  	_ =	shalt  }
0x57: {  	_ =	shalt  }
0x58: {  	_ =	shalt  }
0x59: {  	_ =	shalt  }
0x5a: {  	_ =	shalt  }
0x5b: {  	_ =	shalt  }
0x5c: {  	_ =	shalt  }
0x5d: {  	_ =	shalt  }
0x5e: {  	_ =	shalt  }
0x5f: {  	_ =	shalt  }
0x60: {  	_ =	shalt  }
0x61: {  	_ =	shalt  }
0x62: {  	_ =	shalt  }
0x63: {  	_ =	shalt  }
0x64: {  	_ =	shalt  }
0x65: {  	_ =	shalt  }
0x66: {  	_ =	shalt  }
0x67: {  	_ =	shalt  }
0x68: {  	_ =	shalt  }
0x69: {  	_ =	shalt  }
0x6a: {  	_ =	shalt  }
0x6b: {  	_ =	shalt  }
0x6c: {  	_ =	shalt  }
0x6d: {  	_ =	shalt  }
0x6e: {  	_ =	shalt  }
0x6f: {  	_ =	shalt  }
0x70: {  	_ =	shalt  }
0x71: {  	_ =	shalt  }
0x72: {  	_ =	shalt  }
0x73: {  	_ =	shalt  }
0x74: {  	_ =	shalt  }
0x75: {  	_ =	shalt  }
0x76: {  	_ =	shalt  }
0x77: {  	_ =	shalt  }
0x78: {  	_ =	shalt  }
0x79: {  	_ =	shalt  }
0x7a: {  	_ =	shalt  }
0x7b: {  	_ =	shalt  }
0x7c: {  	_ =	shalt  }
0x7d: {  	_ =	shalt  }
0x7e: {  	_ =	shalt  }
0x7f: {  	_ =	shalt  }
0x80: {  	_ =	shalt  }
0x81: {  	_ =	shalt  }
0x82: {  	_ =	shalt  }
0x83: {  	_ =	shalt  }
0x84: {  	_ =	shalt  }
0x85: {  	_ =	shalt  }
0x86: {  	_ =	shalt  }
0x87: {  	_ =	shalt  }
.Lfunc_end0:
.L_simem_size_0:
called_computation.1_lowered:
.L_overlay_start_0:
0x88: {  	s2 =	sld [smem:$0x3FD9]  }
0x89: {  	s3 =	sld [smem:$0x3FFE];
	_ =	sdelay $0x1  }
0x8a: {  	s1 =	srdreg.scid  }
0x8b: {  	s0 =	sand.u32 $0x1, s1  }
0x8c: {  	s17 =	sshll.u32 s0, $0xA;
	s2 =	sadd.s32 s3, s2  }
0x8d: {  	s2 =	sadd.s32 s2, s17  }
0x8e: {  	[smem:$0x3FC6] =	sst s2  }
0x8f: {  	_ = 	snop  }
0x90: {  	s2 =	sld [smem:$0x3FC9]  }
0x91: {  	s18 =	sld [smem:$0x3FD0];
	(tm) =	ssettm $0x1  }
0x92: {  	s4 =	sld [smem:$0x3FFB];
	_ =	sdelay $0x3  }
0x93: {  	_ =	strace s4  }
0x94: {  	s4 =	sld [smem:$0x3FFC];
	_ =	sdelay $0x3  }
0x95: {  	_ =	strace s4  }
0x96: {  	s4 =	sld [smem:$0x3FFD];
	_ =	sdelay $0x3  }
0x97: {  	_ =	strace s4  }
0x98: {  	_ =	strace $0x8FFFFFFF  }
0x99: {  	s19 =	sld [smem:$0x3FDB];
	_ =	sdelay $0x1  }
0x9a: {  	s5 =	simm.s32 $_scs_section_size  }
0x9b: {  	s6 =	simm.s32 $_size__tile_overlayer_lowered;
	s7 =	simm.s32 $_tile_overlayer_lowered  }
0x9c: {  	s22 =	simm.s32 $0x1BFF;
	s21 =	sshll.u32 s7, $0x1;
	s4 =	sadd.s32 s5, s19  }
0x9d: {  	s8 =	simm.s32 $0x0;
	s20 =	sshll.u32 s6, $0x1;
	s6 =	sadd.s32 s21, s4  }
0x9e: {  	[timem:s8], [sflag:s22] =	dma.local [hbm:s6], s20  }
0x9f: {  	_ =	swait.ge [sflag:s22], s20  }
0xa0: {  	s5 =	ssub.s32 $0x0, s20;
	[sflag:s22] =	ssyncset.done $0x0  }
0xa1: {  	[sflag:s22] =	ssyncadd.s32 s5;
	_ =	sdelay $0x1  }
0xa2: {  	s23 =	simm.s32 $0x1B8B  }
0xa3: {  	_ =	swait.ge [sflag:s23], $0x1  }
0xa4: {  	[sflag:s23] =	ssyncset.done $0x0  }
0xa5: {  	s25 =	simm.s32 $0x1B8E;
	s24 =	sld [smem:$0x3FFE];
	[sflag:s23] =	ssyncadd.s32 $0xFFFFFFFF  }
0xa6: {  	s26 =	simm.s32 $execute0_lowered;
	[smem:$0x3FD2] =	sst s25  }
0xa7: {  	s6 =	sshll.u32 s26, $0x1;
	_ =	strace $0x80000046;
	[dreg:$0x1] =	wrdreg $0xFFFFFFFF  }
0xa8: {  	s28 =	simm.s32 $_size_execute0_lowered;
	s4 =	sadd.s32 s4, s6;
	[dreg:$0x0] =	wrdreg $0x0  }
0xa9: {  	s6 =	sshll.u32 s28, $0x1;
	[dreg:$0x2] =	wrdreg s4  }
0xaa: {  	[dreg:$0x3] =	wrdreg s6  }
0xab: {  	[dreg:$0x4] =	wrdreg $0xC0  }
0xac: {  	_ =	task [dreg:s8], $0x5FFFF  }
0xad: {  	[dreg:$0x1] =	wrdreg $0xFFFFFFFF  }
0xae: {  	[dreg:$0x0] =	wrdreg $0x60  }
0xaf: {  	[dreg:$0x2] =	wrdreg s2  }
0xb0: {  	[dreg:$0x3] =	wrdreg s24  }
0xb1: {  	[dreg:$0x4] =	wrdreg s18  }
0xb2: {  	[dreg:$0x5] =	wrdreg $0x9  }
0xb3: {  	_ =	task.clear_ibuf [dreg:s8], $0x6FFFF;
	_ =	strace $0x90000046  }
0xb4: {  	s29 =	simm.s32 $0x9;
	_ =	strace $0x80000048  }
0xb5: {  	_ =	swait.ge [sflag:s29], $0x1  }
0xb6: {  	[sflag:s29] =	ssyncadd.s32 $0xFFFFFFFF  }
0xb7: {  	_ =	strace $0x90000048  }
0xb8: {  	_ =	sfence  }
0xb9: {  	s30 =	sld [smem:$0x0];
	_ =	sdelay $0x2  }
0xba: {  	s31 =	sshll.u32 s1, $0xD;
	s1 =	sshrl.u32 s1, $0x2  }
0xbb: {  	s3 =	sand.u32 $0x4000, s31;
	s1 =	sadd.s32 s1, s30  }
0xbc: {  	s0 =	sor.u32 s3, s0;
	s1 =	sshll.u32 s1, $0x11  }
0xbd: {  	s0 =	sor.u32 s1, s0  }
0xbe: {  	s0 =	sadd.s32 $0x8F2B, s0  }
0xbf: {  	[sflag:s0] =	ssyncadd.remote.s32 $0x1  }
0xc0: {  	_ =	sfence.sel $0xFFFF  }
0xc1: {  	[dreg:$0x0] =	wrdreg $0xFFFFFFFF;
	(pc) =	sbr.abs _section_cstart, $3  }
0xc2: {  	[dreg:$0x1] =	wrdreg $0xFFFFFFFF  }
0xc3: {  	_ =	task.clear_ibuf [dreg:s8], $0x2FFFF;
	_ =	strace $0x9FFFFFFF  }
0xc4: {  	(tm) =	ssettm $0x7FFFFFFF  }
0xc5: {  	_ =	shalt  }
tec
execute0_lowered:
.L_overlay_start_1:
0x0: {  	(tag) =	ssettag $0x1  }
0x1: {  	s6 =	rddreg [dreg:$0x0]  }
0x2: {  	s4 =	rddreg [dreg:$0x1]  }
0x3: {  	s1 =	srdreg.scid;
	s0 =	stileid.u32  }
0x4: {  	s2 =	rddreg [dreg:$0x2];
	s3 =	simm.s32 $0x0;
	s11 =	simm.s32 $0x4  }
0x5: {  	s12 =	simm.s32 $0x1;
	s13 =	simm.s32 $0x8000;
	s14 =	simm.s32 $0x10200  }
0x6: {  	s15 =	simm.s32 $0x2;
	s16 =	simm.s32 $0x3;
	s17 =	simm.s32 $0x0  }
0x7: {  	s5 =	sand.u32 $0x1, s1;
	s7 =	sshll.u32 s0, $0x1;
	s1 =	rddreg [dreg:$0x3]  }
0x8: {  	[smem:$0x7FF] =	sst s3;
	s7 =	sor.u32 s5, s7;
	s5 =	ssub.s32 $0x2, s5  }
0x9: {  	s4 =	sadd.s32 $0xA00, s4;
	s8 =	smul.u32 $0x208000, s7;
	s9 =	sshrl.u32 s5, $0x1  }
0xa: {  	v0 =	vlaneseq.u32;
	_ =	strace $0x80000047;
	s10 =	smul.u32 $0x41000, s7;
	s9 =	ssub.s32 s5, s9  }
0xb: {  	v0 =	vmul.u32 $0x41, v0;
	s5 =	sshll.u32 s7, $0xF;
	s7 =	sshll.u32 s7, $0xC;
	s8 =	sshrl.u32 s8, $0x3  }
0xc: {  	s6 =	sadd.s32 s6, s7;
	s7 =	sadd.s32 s2, s10;
	s8 =	sadd.s32 s2, s8  }
0xd: {  	v1 =	vimm.f32 $0.0e+00;
	v2 =	vadd.s32 $0x1, v0;
	s9 =	smax.u32 s9, $0x1;
	s10 =	simm.s32 $0x18800;
	s8 =	sadd.s32 $0x1040, s8  }
.LBB2_1:
0xe: {  	[tilespmem:s10], [sflag:$0x4] =	stream.linear.gather [hbm4b:s4+s3], $0x80, $0x38;
	[tilespmem:$0x18880] =	vst v63  }
0xf: {  	_ =	swait.ge [sflag:s11], $0x80  }
0x10: {  	[sflag:s11] =	ssyncset.done $0x0  }
0x11: {  	[sflag:s11] =	ssyncadd.s32 $0xFFFFFF80  }
0x12: {  	[tilespmem:s3], [sflag:$0x1] =	stream.linear.gather [hbm4b:s6+s3], $0x8000, $0x38;
	[tilespmem:$0x18880] =	vst v63  }
0x13: {  	v3 =	vld [tilespmem:$0x18800]  }
0x14: {  	s18 =	simm.s32 $0x0;
	v4 =	vld [tilespmem:$0x18810]  }
.LBB2_2:
0x15: {  	p0 =	sne.s32 s18, $0x40FC0  }
.Ltmp0:
0x16: {  	_ = 	snop;
	(pc) =	sbr.rel @p0 .LBB2_2-.Ltmp0, $3  }
0x17: {  	_ =	sdelay $0x1  }
0x18: {  	s19 =	sshra.s32 s18, $0x2  }
0x19: {  	s18 =	sadd.s32 $0x40, s18;
	[tilespmem:s19+$0x8000] =	vst v1  }
0x1a: {  	s18 =	simm.s32 $0x0;
	s19 =	simm.s32 $0x18400;
	s20 =	simm.s32 $0x0  }
.LBB2_4:
0x1b: {  	p0 =	sne.s32 s20, $0x7DF0  }
.Ltmp1:
0x1c: {  	_ = 	snop;
	(pc) =	sbr.rel @p0 .LBB2_4-.Ltmp1, $3  }
0x1d: {  	_ =	sdelay $0x1  }
0x1e: {  	v5 =	vadd.s32 s20, v0  }
0x1f: {  	s20 =	sadd.s32 $0x410, s20;
	[tilespmem:s19+$0x0] =	vst v5;
	s19 =	sadd.s32 $0x10, s19  }
0x20: {  	s20 =	simm.s32 $0x8200  }
0x21: {  	s19 =	simm.s32 $0x8610;
	v5 =	vadd.s32 s20, v0;
	s20 =	sand.u32 $0x1F0, s18  }
.LBB2_6:
0x22: {  	p0 =	sne.s32 s19, $0xFFF0  }
0x23: {  	[tilespmem:s20+$0x18600] =	vst v5;
	s18 =	sadd.s32 $0x10, s18;
	s20 =	smov.u32 s19;
	s19 =	sadd.s32 $0x410, s19  }
.Ltmp2:
0x24: {  	(pc) =	sbr.rel @p0 .LBB2_6-.Ltmp2, $2  }
0x25: {  	_ =	sdelay $0x2  }
0x26: {  	v5 =	vadd.s32 s20, v0;
	s20 =	sand.u32 $0x1F0, s18  }
0x27: {  	[tilespmem:s20+$0x18600] =	vst v5  }
0x28: {  	_ =	swait.ge [sflag:s12], $0x8000  }
0x29: {  	[sflag:s12] =	ssyncset.done $0x0  }
0x2a: {  	s18 =	simm.s32 $0x0;
	[sflag:s12] =	ssyncadd.s32 $0xFFFF8000  }
0x2b: {  	v5 =	vld [tilespmem:s18+$0x0];
	_ =	sdelay $0x4  }
0x2c: {  	v5 =	vsub.f32 v5, v3  }
0x2d: {  	s19 =	simm.s32 $0x18400  }
0x2e: {  	v7 =	vld [tilespmem:s19+$0x0];
	v6 =	vmul.f32 v5, v4;
	_ =	sdelay $0x1  }
0x2f: {  	v5 =	vtrunc.f32 v6  }
0x30: {  	v5 =	vcvt.f32.s32 v5;
	_ =	sdelay $0x1  }
0x31: {  	v9 =	vadd.s32 $0x1, v7;
	v8 =	vcvt.s32.f32 v5;
	v10 =	vadd.s32 s18, v5  }
0x32: {  	v5 =	vadd.s32 v0, v10  }
0x33: {  	v63 =	vadd.s32 v2, v10;
	v6 =	vsub.f32 v6, v8;
	_ =	sdelay $0x1  }
0x34: {  	[tilespmem:v7+s13+$0x0] =	vst.idx.msk $0xffff, v1;
	v7 =	vsub.f32 $1.000000000e+00, v6  }
0x35: {  	[tilespmem:v9+s13+$0x0] =	vst.idx.msk $0xffff, v1  }
0x36: {  	[tilespmem:v5+s13+$0x0] =	vst.idx.msk $0xffff, v7  }
0x37: {  	s20 =	simm.s32 $0x410;
	[tilespmem:v63+s13+$0x0] =	vst.idx.msk $0xffff, v6  }
.LBB2_8:
0x38: {  	p0 =	sne.s32 s20, $0x7DF0;
	[tilespmem:s19+$0x0] =	vst v5;
	s18 =	sadd.s32 $0x10, s18;
	s19 =	sadd.s32 $0x10, s19  }
0x39: {  	s21 =	smov.u32 s20;
	s20 =	sadd.s32 $0x410, s20;
	v5 =	vld [tilespmem:s18+$0x0];
	_ =	sdelay $0x4  }
0x3a: {  	v5 =	vsub.f32 v5, v3;
	_ =	sdelay $0x1  }
0x3b: {  	v6 =	vmul.f32 v5, v4;
	v7 =	vld [tilespmem:s19+$0x0];
	_ =	sdelay $0x1  }
0x3c: {  	v5 =	vtrunc.f32 v6  }
0x3d: {  	v5 =	vcvt.f32.s32 v5;
	_ =	sdelay $0x1  }
0x3e: {  	v8 =	vcvt.s32.f32 v5;
	v9 =	vadd.s32 $0x1, v7;
	v10 =	vadd.s32 s21, v5  }
0x3f: {  	v5 =	vadd.s32 v0, v10  }
0x40: {  	v6 =	vsub.f32 v6, v8;
	v8 =	vadd.s32 v2, v10  }
.Ltmp3:
0x41: {  	(pc) =	sbr.rel @p0 .LBB2_8-.Ltmp3, $4  }
0x42: {  	[tilespmem:v7+s13+$0x0] =	vst.idx.msk $0xffff, v1;
	v7 =	vsub.f32 $1.000000000e+00, v6  }
0x43: {  	[tilespmem:v9+s13+$0x0] =	vst.idx.msk $0xffff, v1  }
0x44: {  	[tilespmem:v5+s13+$0x0] =	vst.idx.msk $0xffff, v7  }
0x45: {  	[tilespmem:v8+s13+$0x0] =	vst.idx.msk $0xffff, v6  }
0x46: {  	[tilespmem:s19+$0x0] =	vst v5;
	s18 =	simm.s32 $0x200  }
0x47: {  	[hbm4b:s7+s3] =	stream.linear.scatter [tilespmem:s13], [sflag:$0x2], $0x8200, $0x38;
	[tilespmem:$0x18880] =	vst v63  }
0x48: {  	v5 =	vld [tilespmem:s18+$0x0];
	_ =	sdelay $0x4  }
0x49: {  	v5 =	vsub.f32 v5, v3  }
0x4a: {  	s19 =	simm.s32 $0x18600  }
0x4b: {  	v7 =	vld [tilespmem:s19+$0x0];
	v6 =	vmul.f32 v5, v4;
	_ =	sdelay $0x1  }
0x4c: {  	v5 =	vtrunc.f32 v6  }
0x4d: {  	v5 =	vcvt.f32.s32 v5  }
0x4e: {  	s20 =	simm.s32 $0x8200  }
0x4f: {  	v9 =	vadd.s32 $0x1, v7;
	v8 =	vcvt.s32.f32 v5;
	v10 =	vadd.s32 s20, v5  }
0x50: {  	v5 =	vadd.s32 v0, v10  }
0x51: {  	v63 =	vadd.s32 v2, v10;
	v6 =	vsub.f32 v6, v8;
	_ =	sdelay $0x1  }
0x52: {  	[tilespmem:v7+s13+$0x0] =	vst.idx.msk $0xffff, v1;
	v7 =	vsub.f32 $1.000000000e+00, v6  }
0x53: {  	[tilespmem:v9+s13+$0x0] =	vst.idx.msk $0xffff, v1  }
0x54: {  	[tilespmem:v5+s13+$0x0] =	vst.idx.msk $0xffff, v7  }
0x55: {  	s20 =	simm.s32 $0x8610;
	[tilespmem:v63+s13+$0x0] =	vst.idx.msk $0xffff, v6  }
.LBB2_10:
0x56: {  	p0 =	sne.s32 s20, $0xFFF0;
	[tilespmem:s19+$0x0] =	vst v5;
	s18 =	sadd.s32 $0x10, s18;
	s19 =	sadd.s32 $0x10, s19  }
0x57: {  	s21 =	smov.u32 s20;
	s20 =	sadd.s32 $0x410, s20;
	v5 =	vld [tilespmem:s18+$0x0];
	_ =	sdelay $0x4  }
0x58: {  	v5 =	vsub.f32 v5, v3;
	_ =	sdelay $0x1  }
0x59: {  	v6 =	vmul.f32 v5, v4;
	v7 =	vld [tilespmem:s19+$0x0];
	_ =	sdelay $0x1  }
0x5a: {  	v5 =	vtrunc.f32 v6  }
0x5b: {  	v5 =	vcvt.f32.s32 v5;
	_ =	sdelay $0x1  }
0x5c: {  	v8 =	vcvt.s32.f32 v5;
	v9 =	vadd.s32 $0x1, v7;
	v10 =	vadd.s32 s21, v5  }
0x5d: {  	v5 =	vadd.s32 v0, v10  }
0x5e: {  	v6 =	vsub.f32 v6, v8;
	v8 =	vadd.s32 v2, v10  }
.Ltmp4:
0x5f: {  	(pc) =	sbr.rel @p0 .LBB2_10-.Ltmp4, $4  }
0x60: {  	[tilespmem:v7+s13+$0x0] =	vst.idx.msk $0xffff, v1;
	v7 =	vsub.f32 $1.000000000e+00, v6  }
0x61: {  	[tilespmem:v9+s13+$0x0] =	vst.idx.msk $0xffff, v1  }
0x62: {  	[tilespmem:v5+s13+$0x0] =	vst.idx.msk $0xffff, v7  }
0x63: {  	[tilespmem:v8+s13+$0x0] =	vst.idx.msk $0xffff, v6  }
0x64: {  	[tilespmem:s19+$0x0] =	vst v5;
	s18 =	simm.s32 $0x0;
	s19 =	simm.s32 $0x0  }
0x65: {  	[hbm4b:s8+s18] =	stream.linear.scatter [tilespmem:s14], [sflag:$0x3], $0x8200, $0x38;
	[tilespmem:$0x18880] =	vst v63  }
.LBB2_12:
0x66: {  	s19 =	sadd.s32 $0x1, s19  }
0x67: {  	s20 =	sshll.u32 s19, $0xA  }
0x68: {  	_ =	swait.ge [sflag:s15], $0x8200;
	s22 =	sand.u32 $0x180, s18;
	s21 =	sand.u32 $0x3FFFFC00, s20  }
0x69: {  	s23 =	sand.u32 $0x70, s18;
	[sflag:s15] =	ssyncset.done $0x0;
	s22 =	sadd.s32 s22, s21  }
0x6a: {  	[sflag:s15] =	ssyncadd.s32 $0xFFFF7E00;
	s22 =	sadd.s32 s23, s22  }
0x6b: {  	v5 =	vld [tilespmem:s22+$0x0];
	_ =	sdelay $0x4  }
0x6c: {  	v5 =	vsub.f32 v5, v3  }
0x6d: {  	s23 =	simm.s32 $0x18400  }
0x6e: {  	v7 =	vld [tilespmem:s23+$0x0];
	v6 =	vmul.f32 v5, v4;
	_ =	sdelay $0x1  }
0x6f: {  	v5 =	vtrunc.f32 v6  }
0x70: {  	v5 =	vcvt.f32.s32 v5;
	_ =	sdelay $0x1  }
0x71: {  	v9 =	vadd.s32 $0x1, v7;
	v8 =	vcvt.s32.f32 v5;
	v10 =	vadd.s32 s18, v5  }
0x72: {  	v5 =	vadd.s32 v0, v10  }
0x73: {  	v63 =	vadd.s32 v2, v10;
	v6 =	vsub.f32 v6, v8;
	_ =	sdelay $0x1  }
0x74: {  	[tilespmem:v7+s13+$0x0] =	vst.idx.msk $0xffff, v1;
	v7 =	vsub.f32 $1.000000000e+00, v6  }
0x75: {  	s31 =	simm.s32 $0x10;
	[tilespmem:v9+s13+$0x0] =	vst.idx.msk $0xffff, v1  }
0x76: {  	s25 =	simm.s32 $0x20;
	s24 =	sand.u32 $0x180, s31;
	s26 =	sand.u32 $0x70, s31;
	[tilespmem:v5+s13+$0x0] =	vst.idx.msk $0xffff, v7  }
0x77: {  	s28 =	sadd.s32 s24, s21;
	s24 =	simm.s32 $0x0;
	s22 =	simm.s32 $0x18410;
	[tilespmem:v63+s13+$0x0] =	vst.idx.msk $0xffff, v6  }
.LBB2_13:
0x78: {  	s26 =	sadd.s32 s26, s28;
	s24 =	sadd.s32 $0x410, s24  }
0x79: {  	[tilespmem:s23+$0x0] =	vst v5;
	s28 =	smov.u32 s25;
	s29 =	sadd.s32 $0x10, s25;
	s23 =	smov.u32 s22  }
0x7a: {  	p0 =	sne.s32 s25, $0x1F0;
	v5 =	vld [tilespmem:s26+$0x0];
	_ =	sdelay $0x4  }
0x7b: {  	v5 =	vsub.f32 v5, v3;
	_ =	sdelay $0x1  }
0x7c: {  	v6 =	vmul.f32 v5, v4;
	v7 =	vld [tilespmem:s22+$0x0];
	_ =	sdelay $0x1  }
0x7d: {  	v5 =	vtrunc.f32 v6  }
0x7e: {  	v5 =	vcvt.f32.s32 v5;
	_ =	sdelay $0x1  }
0x7f: {  	v8 =	vcvt.s32.f32 v5;
	v9 =	vadd.s32 $0x1, v7;
	v10 =	vadd.s32 s24, v5  }
0x80: {  	v5 =	vadd.s32 v0, v10  }
0x81: {  	v6 =	vsub.f32 v6, v8;
	v8 =	vadd.s32 v2, v10  }
.Ltmp5:
0x82: {  	(pc) =	sbr.rel @p0 .LBB2_13-.Ltmp5, $4  }
0x83: {  	[tilespmem:v7+s13+$0x0] =	vst.idx.msk $0xffff, v1;
	v7 =	vsub.f32 $1.000000000e+00, v6  }
0x84: {  	[tilespmem:v9+s13+$0x0] =	vst.idx.msk $0xffff, v1  }
0x85: {  	s25 =	sand.u32 $0x180, s28;
	s26 =	sand.u32 $0x70, s28;
	[tilespmem:v5+s13+$0x0] =	vst.idx.msk $0xffff, v7  }
0x86: {  	s28 =	sadd.s32 s25, s21;
	s25 =	smov.u32 s29;
	s22 =	sadd.s32 $0x10, s22;
	[tilespmem:v8+s13+$0x0] =	vst.idx.msk $0xffff, v6  }
0x87: {  	s21 =	sadd.s32 s26, s28;
	[tilespmem:s23+$0x0] =	vst v5  }
0x88: {  	v5 =	vld [tilespmem:s21+$0x0];
	_ =	sdelay $0x4  }
0x89: {  	v5 =	vsub.f32 v5, v3;
	_ =	sdelay $0x1  }
0x8a: {  	v6 =	vld [tilespmem:s22+$0x0];
	v5 =	vmul.f32 v5, v4;
	_ =	sdelay $0x1  }
0x8b: {  	v7 =	vtrunc.f32 v5  }
0x8c: {  	v7 =	vcvt.f32.s32 v7  }
0x8d: {  	s23 =	sadd.s32 $0x410, s24  }
0x8e: {  	v9 =	vadd.s32 $0x1, v6;
	v8 =	vcvt.s32.f32 v7;
	v7 =	vadd.s32 s23, v7  }
0x8f: {  	v10 =	vadd.s32 v0, v7  }
0x90: {  	v7 =	vadd.s32 v2, v7;
	v5 =	vsub.f32 v5, v8;
	_ =	sdelay $0x1  }
0x91: {  	s20 =	sadd.s32 s5, s20;
	[tilespmem:v6+s13+$0x0] =	vst.idx.msk $0xffff, v1;
	v6 =	vsub.f32 $1.000000000e+00, v5  }
0x92: {  	s20 =	smul.u32 $0x41, s20;
	[tilespmem:v9+s13+$0x0] =	vst.idx.msk $0xffff, v1  }
0x93: {  	[tilespmem:v10+s13+$0x0] =	vst.idx.msk $0xffff, v6  }
0x94: {  	s20 =	sshrl.u32 s20, $0x3;
	[tilespmem:v7+s13+$0x0] =	vst.idx.msk $0xffff, v5  }
0x95: {  	s24 =	simm.s32 $0x0;
	s25 =	sshllo.u32 s19, $0x1;
	s20 =	sadd.s32 s2, s20;
	[tilespmem:s22+$0x0] =	vst v10  }
0x96: {  	[hbm4b:s20+s24] =	stream.linear.scatter [tilespmem:s13], [sflag:$0x2], $0x8200, $0x38;
	[tilespmem:$0x18880] =	vst v63  }
0x97: {  	s20 =	sshll.u32 s25, $0x9  }
0x98: {  	s26 =	sand.u32 $0x180, s24;
	_ =	swait.ge [sflag:s16], $0x8200;
	s21 =	sand.u32 $0x3FFFFE00, s20  }
0x99: {  	s22 =	sand.u32 $0x70, s24;
	[sflag:s16] =	ssyncset.done $0x0;
	s30 =	sadd.s32 s26, s21  }
0x9a: {  	[sflag:s16] =	ssyncadd.s32 $0xFFFF7E00;
	s24 =	sadd.s32 s22, s30  }
0x9b: {  	v5 =	vld [tilespmem:s24+$0x0];
	_ =	sdelay $0x4  }
0x9c: {  	v5 =	vsub.f32 v5, v3  }
0x9d: {  	s23 =	sor.u32 s22, s26  }
0x9e: {  	v7 =	vld [tilespmem:s23+$0x18600];
	v6 =	vmul.f32 v5, v4;
	_ =	sdelay $0x1  }
0x9f: {  	v5 =	vtrunc.f32 v6  }
0xa0: {  	v5 =	vcvt.f32.s32 v5  }
0xa1: {  	s31 =	simm.s32 $0x8200  }
0xa2: {  	v61 =	vadd.s32 $0x1, v7;
	v60 =	vcvt.s32.f32 v5;
	v62 =	vadd.s32 s31, v5  }
0xa3: {  	v5 =	vadd.s32 v0, v62  }
0xa4: {  	v63 =	vadd.s32 v2, v62;
	v6 =	vsub.f32 v6, v60;
	_ =	sdelay $0x1  }
0xa5: {  	[tilespmem:v7+s13+$0x0] =	vst.idx.msk $0xffff, v1;
	v7 =	vsub.f32 $1.000000000e+00, v6  }
0xa6: {  	s24 =	simm.s32 $0x10;
	[tilespmem:v61+s13+$0x0] =	vst.idx.msk $0xffff, v1  }
0xa7: {  	s25 =	simm.s32 $0x8A20;
	s26 =	sand.u32 $0x180, s24;
	[tilespmem:v5+s13+$0x0] =	vst.idx.msk $0xffff, v7  }
0xa8: {  	s22 =	simm.s32 $0x8610;
	s28 =	sand.u32 $0x70, s24;
	s29 =	sadd.s32 s26, s21;
	[tilespmem:v63+s13+$0x0] =	vst.idx.msk $0xffff, v6  }
.LBB2_15:
0xa9: {  	p0 =	sne.s32 s25, $0xFFF0  }
0xaa: {  	s29 =	sadd.s32 s28, s29;
	[tilespmem:s23+$0x18600] =	vst v5;
	s30 =	smov.u32 s25;
	s25 =	sadd.s32 $0x410, s25  }
0xab: {  	v5 =	vld [tilespmem:s29+$0x0];
	_ =	sdelay $0x4  }
0xac: {  	v5 =	vsub.f32 v5, v3  }
0xad: {  	s23 =	sor.u32 s28, s26  }
0xae: {  	v6 =	vmul.f32 v5, v4;
	v7 =	vld [tilespmem:s23+$0x18600];
	_ =	sdelay $0x1  }
0xaf: {  	v5 =	vtrunc.f32 v6  }
0xb0: {  	v5 =	vcvt.f32.s32 v5;
	_ =	sdelay $0x1  }
0xb1: {  	v8 =	vcvt.s32.f32 v5;
	v9 =	vadd.s32 $0x1, v7;
	v10 =	vadd.s32 s22, v5;
	s22 =	smov.u32 s30  }
0xb2: {  	v5 =	vadd.s32 v0, v10  }
0xb3: {  	v6 =	vsub.f32 v6, v8;
	v8 =	vadd.s32 v2, v10  }
.Ltmp6:
0xb4: {  	(pc) =	sbr.rel @p0 .LBB2_15-.Ltmp6, $4  }
0xb5: {  	[tilespmem:v7+s13+$0x0] =	vst.idx.msk $0xffff, v1;
	v7 =	vsub.f32 $1.000000000e+00, v6  }
0xb6: {  	s24 =	sadd.s32 $0x10, s24;
	[tilespmem:v9+s13+$0x0] =	vst.idx.msk $0xffff, v1  }
0xb7: {  	s26 =	sand.u32 $0x180, s24;
	[tilespmem:v5+s13+$0x0] =	vst.idx.msk $0xffff, v7  }
0xb8: {  	s28 =	sand.u32 $0x70, s24;
	s29 =	sadd.s32 s26, s21;
	[tilespmem:v8+s13+$0x0] =	vst.idx.msk $0xffff, v6  }
0xb9: {  	s21 =	sadd.s32 s28, s29;
	[tilespmem:s23+$0x18600] =	vst v5  }
0xba: {  	v5 =	vld [tilespmem:s21+$0x0];
	_ =	sdelay $0x4  }
0xbb: {  	v5 =	vsub.f32 v5, v3  }
0xbc: {  	s31 =	sor.u32 s28, s26  }
0xbd: {  	v6 =	vld [tilespmem:s31+$0x18600];
	v5 =	vmul.f32 v5, v4;
	_ =	sdelay $0x1  }
0xbe: {  	v7 =	vtrunc.f32 v5  }
0xbf: {  	v7 =	vcvt.f32.s32 v7;
	_ =	sdelay $0x1  }
0xc0: {  	v9 =	vadd.s32 $0x1, v6;
	v8 =	vcvt.s32.f32 v7;
	v7 =	vadd.s32 s22, v7  }
0xc1: {  	v10 =	vadd.s32 v0, v7  }
0xc2: {  	v7 =	vadd.s32 v2, v7;
	v5 =	vsub.f32 v5, v8  }
0xc3: {  	s20 =	sadd.s32 s5, s20  }
0xc4: {  	p0 =	sne.s32 s19, $0x1F;
	s20 =	smul.u32 $0x41, s20;
	[tilespmem:v6+s13+$0x0] =	vst.idx.msk $0xffff, v1;
	v6 =	vsub.f32 $1.000000000e+00, v5  }
.Ltmp7:
0xc5: {  	[tilespmem:v9+s13+$0x0] =	vst.idx.msk $0xffff, v1;
	(pc) =	sbr.rel @p0 .LBB2_12-.Ltmp7, $4  }
0xc6: {  	[tilespmem:v10+s13+$0x0] =	vst.idx.msk $0xffff, v6  }
0xc7: {  	s20 =	sshrl.u32 s20, $0x3;
	[tilespmem:v7+s13+$0x0] =	vst.idx.msk $0xffff, v5  }
0xc8: {  	s20 =	sadd.s32 s2, s20;
	[tilespmem:s31+$0x18600] =	vst v10  }
0xc9: {  	[hbm4b:s20+s3] =	stream.linear.scatter [tilespmem:s14], [sflag:$0x3], $0x8200, $0x38;
	[tilespmem:$0x18880] =	vst v63  }
0xca: {  	s17 =	sadd.s32 $0x1, s17  }
0xcb: {  	_ =	swait.ge [sflag:s15], $0x8200;
	p0 =	sne.s32 s17, s9  }
.Ltmp8:
0xcc: {  	[sflag:s15] =	ssyncset.done $0x0;
	(pc) =	sbr.rel @p0 .LBB2_1-.Ltmp8, $4  }
0xcd: {  	[sflag:s15] =	ssyncadd.s32 $0xFFFF7E00  }
0xce: {  	_ =	swait.ge [sflag:s16], $0x8200  }
0xcf: {  	[sflag:s16] =	ssyncset.done $0x0  }
0xd0: {  	[sflag:s16] =	ssyncadd.s32 $0xFFFF7E00  }
0xd1: {  	_ =	sfence.sel $0x180000  }
0xd2: {  	[bflag:$0x0] =	sbarrier.arrive $0xFFFF  }
0xd3: {  	p0 =	sne.s32 s0, $0x0;
	_ =	strace $0x90000047  }
0xd4: {  	s0 =	sadd.s32 @!p0 $0x100000, s1;
	[bflag:$0x2] =	sbarrier.arrive $0xFFFF  }
0xd5: {  	[sflag:s0] =	ssyncadd.tile.s32 @!p0 $0x1;
	_ =	shalt  }
.Lfunc_end2:
_tile_overlayer_lowered:
.L_overlay_start_2:
0xd6: {  	(tag) =	ssettag $0x2  }
0xd7: {  	s0 =	rddreg [dreg:$0x0];
	s2 =	stileid.u32  }
0xd8: {  	s1 =	rddreg [dreg:$0x1];
	p0 =	sne.s32 s2, $0x0  }
0xd9: {  	s3 =	rddreg [dreg:$0x2];
	[bflag:$0x3] =	sbarrier.arrive $0xFFFF;
	s2 =	simm.s32 @!p0 $0x1C04  }
0xda: {  	[timem:s3], [sflag:s2] =	dma.local @!p0 [hbm:s0], s1  }
0xdb: {  	s0 =	simm.s32 @!p0 $0x4  }
0xdc: {  	_ =	swait.ge @!p0 [sflag:s0], s1  }
0xdd: {  	s1 =	ssub.s32 @!p0 $0x0, s1;
	[sflag:s0] =	ssyncset.done @!p0 $0x0  }
0xde: {  	[sflag:s0] =	ssyncadd.s32 @!p0 s1  }
0xdf: {  	[bflag:$0x3] =	sbarrier.arrive $0xFFFF  }
0xe0: {  	_ =	shalt  }

// kernel: sparse-core-data-format-call.cloned.1.call-start
scs
called_computation_lowered:
.L_overlay_start_0:
0x0: {  	s2 =	sld [smem:$0x3FD9]  }
0x1: {  	s3 =	sld [smem:$0x3FFE];
	_ =	sdelay $0x1  }
0x2: {  	s1 =	srdreg.scid  }
0x3: {  	s0 =	sand.u32 $0x1, s1  }
0x4: {  	s18 =	sshll.u32 s0, $0xA;
	s2 =	sadd.s32 s3, s2  }
0x5: {  	s2 =	sadd.s32 s2, s18  }
0x6: {  	[smem:$0x3FC6] =	sst s2  }
0x7: {  	_ = 	snop  }
0x8: {  	s2 =	sld [smem:$0x3FD0];
	(tm) =	ssettm $0x1  }
0x9: {  	s19 =	sld [smem:$0x3FFB];
	_ =	sdelay $0x3  }
0xa: {  	_ =	strace s19  }
0xb: {  	s3 =	sld [smem:$0x3FFC];
	_ =	sdelay $0x3  }
0xc: {  	_ =	strace s3  }
0xd: {  	s3 =	sld [smem:$0x3FFD];
	_ =	sdelay $0x3  }
0xe: {  	_ =	strace s3  }
0xf: {  	_ =	strace $0x8FFFFFFF  }
0x10: {  	s20 =	sld [smem:$0x3FDB];
	_ =	sdelay $0x1  }
0x11: {  	s4 =	simm.s32 $_scs_section_size  }
0x12: {  	s5 =	simm.s32 $_size__tile_overlayer_lowered;
	s6 =	simm.s32 $_tile_overlayer_lowered  }
0x13: {  	s23 =	simm.s32 $0x1BFF;
	s22 =	sshll.u32 s6, $0x1;
	s3 =	sadd.s32 s4, s20  }
0x14: {  	s7 =	simm.s32 $0x0;
	s21 =	sshll.u32 s5, $0x1;
	s5 =	sadd.s32 s22, s3  }
0x15: {  	[timem:s7], [sflag:s23] =	dma.local [hbm:s5], s21  }
0x16: {  	_ =	swait.ge [sflag:s23], s21  }
0x17: {  	s4 =	ssub.s32 $0x0, s21;
	[sflag:s23] =	ssyncset.done $0x0  }
0x18: {  	[sflag:s23] =	ssyncadd.s32 s4;
	_ =	sdelay $0x1  }
0x19: {  	s24 =	simm.s32 $0x1B8B  }
0x1a: {  	_ =	swait.ge [sflag:s24], $0x1  }
0x1b: {  	[sflag:s24] =	ssyncset.done $0x0  }
0x1c: {  	s26 =	simm.s32 $0x1B8E;
	s25 =	sld [smem:$0x3FFE];
	[sflag:s24] =	ssyncadd.s32 $0xFFFFFFFF  }
0x1d: {  	s27 =	simm.s32 $execute0_lowered;
	[smem:$0x3FD2] =	sst s26  }
0x1e: {  	s5 =	sshll.u32 s27, $0x1;
	_ =	strace $0x80000049;
	[dreg:$0x1] =	wrdreg $0xFFFFFFFF  }
0x1f: {  	s28 =	simm.s32 $_size_execute0_lowered;
	s3 =	sadd.s32 s3, s5;
	[dreg:$0x0] =	wrdreg $0x0  }
0x20: {  	s5 =	sshll.u32 s28, $0x1;
	[dreg:$0x2] =	wrdreg s3  }
0x21: {  	[dreg:$0x3] =	wrdreg s5  }
0x22: {  	[dreg:$0x4] =	wrdreg $0xC0  }
0x23: {  	_ =	task [dreg:s7], $0x5FFFF  }
0x24: {  	[dreg:$0x1] =	wrdreg $0xFFFFFFFF  }
0x25: {  	[dreg:$0x0] =	wrdreg $0x60  }
0x26: {  	[dreg:$0x2] =	wrdreg s25  }
0x27: {  	[dreg:$0x3] =	wrdreg s2  }
0x28: {  	[dreg:$0x4] =	wrdreg $0x9  }
0x29: {  	_ =	task.clear_ibuf [dreg:s7], $0x5FFFF;
	_ =	strace $0x90000049  }
0x2a: {  	s29 =	simm.s32 $0x9;
	_ =	strace $0x8000004B  }
0x2b: {  	_ =	swait.ge [sflag:s29], $0x1  }
0x2c: {  	[sflag:s29] =	ssyncadd.s32 $0xFFFFFFFF  }
0x2d: {  	_ =	strace $0x9000004B  }
0x2e: {  	_ =	sfence  }
0x2f: {  	s30 =	sld [smem:$0x0];
	_ =	sdelay $0x2  }
0x30: {  	s31 =	sshll.u32 s1, $0xD;
	s1 =	sshrl.u32 s1, $0x2  }
0x31: {  	s3 =	sand.u32 $0x4000, s31;
	s1 =	sadd.s32 s1, s30  }
0x32: {  	s0 =	sor.u32 s3, s0;
	s1 =	sshll.u32 s1, $0x11  }
0x33: {  	s0 =	sor.u32 s1, s0  }
0x34: {  	s0 =	sadd.s32 $0x8F2B, s0  }
0x35: {  	[sflag:s0] =	ssyncadd.remote.s32 $0x1  }
0x36: {  	_ =	sfence.sel $0xFFFF  }
0x37: {  	[dreg:$0x0] =	wrdreg $0xFFFFFFFF;
	(pc) =	sbr.abs _section_cstart, $3  }
0x38: {  	[dreg:$0x1] =	wrdreg $0xFFFFFFFF  }
0x39: {  	_ =	task.clear_ibuf [dreg:s7], $0x2FFFF;
	_ =	strace $0x9FFFFFFF  }
0x3a: {  	(tm) =	ssettm $0x7FFFFFFF  }
0x3b: {  	_ =	shalt  }
tec
execute0_lowered:
.L_overlay_start_1:
0x0: {  	(tag) =	ssettag $0x1  }
0x1: {  	s0 =	srdreg.scid  }
0x2: {  	s5 =	rddreg [dreg:$0x0];
	s1 =	sshll.u32 s0, $0x4  }
0x3: {  	s2 =	rddreg [dreg:$0x1];
	s0 =	stileid.u32;
	s1 =	sand.u32 $0x10, s1  }
0x4: {  	s4 =	simm.s32 $0x1;
	s8 =	simm.s32 $0x2;
	s1 =	sor.u32 s0, s1  }
0x5: {  	s12 =	simm.s32 $0x0;
	s9 =	simm.s32 $0x0;
	s3 =	sshll.u32 s1, $0x7  }
0x6: {  	s11 =	simm.s32 $0x0;
	s5 =	sadd.s32 $0xA00, s5;
	s6 =	ssub.s32 $0x100000, s3  }
.Ltmp0:
0x7: {  	s1 =	rddreg [dreg:$0x2];
	s7 =	sand.u32 $0xF80, s6;
	(pc) =	sbr.rel .LBB1_1-.Ltmp0, $4  }
0x8: {  	_ =	strace $0x8000004A;
	p0 =	sne.s32 s7, $0x0;
	s7 =	simm.s32 $0x1  }
0x9: {  	[sflag:s4] =	ssyncpa.u1 $0x0;
	s6 =	sshrl.u32 s6, $0xC;
	s7 =	simm.s32 @!p0 $0x0  }
0xa: {  	s10 =	smov.u32 s3;
	[sflag:s8] =	ssyncpa.u1 $0x0;
	s6 =	sadd.s32 s7, s6  }
0xb: {  	s8 =	simm.s32 $0x800000;
	p0 =	por $0x0, $0x0;
	s7 =	sadd.s32 $0x1, s6  }
.LBB1_4:
0xc: {  	v5 =	vld [tilespmem:s14+$0xFFFFFFD0];
	[tilespmem:s16+$0x2040 ss:$0x81] =	vst.msk $0xffff, v2  }
0xd: {  	v58 =	vld [tilespmem:s14+$0xFFFFFFE0];
	[tilespmem:s16+$0x2850 ss:$0x81] =	vst.msk $0xffff, v4  }
0xe: {  	s17 =	sshra.s32 s17, $0x2;
	s18 =	sshll.u32 s9, $0x3;
	v59 =	vld [tilespmem:s14+$0xFFFFFFF0];
	[tilespmem:s16+$0x3060 ss:$0x81] =	vst.msk $0xffff, v3;
	p1 =	sgt.s32 s9, $0xFFF80  }
0xf: {  	v60 =	vld [tilespmem:s14+$0x0];
	[tilespmem:s16+$0x0 ss:$0x81] =	vst.msk $0xffff, v1;
	s19 =	smov.u32 s9;
	s15 =	sadd.s32 s17, s15;
	s27 =	sshrl.u32 s18, $0x14  }
0x10: {  	s20 =	sshra.s32 s9, $0x1F;
	v61 =	vld [tilespmem:s14+$0x10];
	s29 =	sand.u32 $0x78, s9;
	s28 =	smul.u32 $0xE39, s27;
	[tilespmem:s15+$0x3870 ss:$0x81] =	vst.msk $0xffff, v0  }
0x11: {  	v62 =	vld [tilespmem:s14+$0x20];
	s30 =	sand.u32 $0x7, s9;
	s19 =	simm.s32 @!p1 $0xFFF80;
	s20 =	sand.u32 s20, s9;
	[tilespmem:s15+$0x810 ss:$0x81] =	vst.msk $0xffff, v5  }
0x12: {  	v63 =	vld [tilespmem:s14+$0xFFFFFFC0];
	s18 =	sand.u32 $0xFFC00, s18;
	s19 =	ssub.s32 s19, s20;
	s16 =	sshrl.u32 s28, $0x12;
	[tilespmem:s15+$0x1020 ss:$0x81] =	vst.msk $0xffff, v58  }
0x13: {  	s14 =	sor.u32 s29, s18;
	s20 =	ssub.s32 $0x100000, s19;
	s16 =	smul.u32 $0x48, s16;
	[tilespmem:s15+$0x1830 ss:$0x81] =	vst.msk $0xffff, v59  }
0x14: {  	s18 =	sshll.u32 s30, $0x12;
	s19 =	sadd.s32 $0xFFF00080, s19;
	s20 =	smul.u32 $0x120, s20;
	[tilespmem:s15+$0x2040 ss:$0x81] =	vst.msk $0xffff, v60  }
0x15: {  	s14 =	sshrl.u32 s14, $0x3;
	p1 =	sgt.s32 s19, $0x7F;
	[tilespmem:s15+$0x2850 ss:$0x81] =	vst.msk $0xffff, v61;
	s16 =	ssub.s32 s27, s16  }
0x16: {  	s14 =	sadd.s32 s2, s14;
	[tilespmem:s15+$0x3060 ss:$0x81] =	vst.msk $0xffff, v62;
	s17 =	sshrl.u32 s20, $0x2;
	s16 =	sshll.u32 s16, $0x11  }
0x17: {  	s31 =	sor.u32 $0x400, s18;
	[tilespmem:s15+$0x0 ss:$0x81] =	vst.msk $0xffff, v63;
	s17 =	simm.s32 @p1 $0x0;
	s14 =	sadd.s32 s16, s14  }
0x18: {  	[hbm4b:s14+s31] =	stream.strided.scatter [tilespmem:s13], [sflag:$0x2], s17, s8, s31, $0x20;
	[tilespmem:$0x10100] =	vst v63  }
.LBB1_5:
0x19: {  	p1 =	slt.u32 s11, $0x2  }
0x1a: {  	p2 =	sgt.s32 @!p1 s12, $0xFFF80  }
0x1b: {  	s13 =	smov.u32 s12;
	s14 =	sshra.s32 @!p1 s12, $0x1F;
	p2 =	por !p2, p1  }
0x1c: {  	s12 =	sand.u32 @!p1 s14, s12;
	s13 =	simm.s32 @p2 $0xFFF80  }
0x1d: {  	s12 =	ssub.s32 @!p1 s13, s12  }
0x1e: {  	s13 =	ssub.s32 @!p1 $0x100000, s12  }
0x1f: {  	s12 =	sadd.s32 @!p1 $0xFFF00080, s12;
	s13 =	smul.u32 @!p1 $0x120, s13  }
0x20: {  	p2 =	sgt.s32 @!p1 s12, $0x7F  }
0x21: {  	s14 =	sadd.s32 $0x1000, s10;
	p2 =	por !p2, p1;
	s12 =	sshrl.u32 @!p1 s13, $0x2  }
0x22: {  	s12 =	simm.s32 @!p2 $0x0;
	p2 =	sgt.s32 s14, $0xFFFFF  }
0x23: {  	s14 =	smov.u32 @p2 s3;
	p2 =	sne.s32 s11, s7  }
.Ltmp1:
0x24: {  	_ = 	snop;
	(pc) =	sbr.rel @!p2 .LBB1_6-.Ltmp1, $4  }
0x25: {  	s13 =	simm.s32 @!p1 $0x2  }
0x26: {  	p0 =	por !p0, !p0;
	_ =	swait.ge @!p1 [sflag:s13], s12;
	s15 =	ssub.s32 @!p1 $0x0, s12  }
0x27: {  	s12 =	smov.u32 s9;
	s11 =	sadd.s32 $0x1, s11;
	[sflag:s13] =	ssyncset.done @!p1 $0x0  }
0x28: {  	s9 =	smov.u32 s10;
	s10 =	smov.u32 s14;
	[sflag:s13] =	ssyncadd.s32 @!p1 s15  }
.LBB1_1:
0x29: {  	p1 =	sge.u32 s11, s6  }
0x2a: {  	s13 =	sxor.u32 @!p1 $0xFFFFFFFF, s11;
	s14 =	sshll.u32 @!p1 s10, $0x4  }
0x2b: {  	s31 =	sadd.s32 $0xFFFFFFFF, s11;
	s13 =	sshll.u32 @!p1 s13, $0xE;
	s14 =	sand.u32 @!p1 $0xFFFFF0, s14  }
0x2c: {  	s15 =	simm.s32 @!p1 $0x0;
	s13 =	sand.u32 @!p1 $0x4000, s13;
	s14 =	sadd.s32 @!p1 s5, s14  }
0x2d: {  	[tilespmem:s13], [sflag:$0x1] =	stream.linear.gather @!p1 [hbm4b:s14+s15], $0x4000, $0x38;
	[tilespmem:$0x10100] =	vst v63  }
0x2e: {  	p1 =	sge.u32 s31, s6  }
.Ltmp2:
0x2f: {  	_ = 	snop;
	(pc) =	sbr.rel @p1 .LBB1_5-.Ltmp2, $1  }
0x30: {  	_ =	sdelay $0x3  }
0x31: {  	s13 =	simm.s32 $0x1  }
0x32: {  	_ =	swait.ge [sflag:s4], $0x4000;
	s13 =	simm.s32 @!p0 $0x0  }
0x33: {  	[sflag:s4] =	ssyncset.done $0x0;
	s14 =	sshll.u32 s13, $0xE  }
0x34: {  	[sflag:s4] =	ssyncadd.s32 $0xFFFFC000;
	s14 =	sor.u32 $0x40, s14  }
0x35: {  	s13 =	smul.u32 $0x10200, s13;
	v0 =	vld [tilespmem:s14+$0x30]  }
0x36: {  	v1 =	vld [tilespmem:s14+$0xFFFFFFD0]  }
0x37: {  	s13 =	sshrl.u32 s13, $0x2;
	v5 =	vld [tilespmem:s14+$0xFFFFFFE0]  }
0x38: {  	v6 =	vld [tilespmem:s14+$0xFFFFFFF0];
	s15 =	sor.u32 $0x8000, s13  }
0x39: {  	s31 =	sand.u32 $0x1, s11;
	v2 =	vld [tilespmem:s14+$0x0];
	s16 =	sadd.s32 $0x0, s15  }
0x3a: {  	v4 =	vld [tilespmem:s14+$0x10];
	s13 =	smul.u32 $0x10200, s31;
	[tilespmem:s16+$0x3870 ss:$0x81] =	vst.msk $0xffff, v0  }
0x3b: {  	v3 =	vld [tilespmem:s14+$0x20];
	[tilespmem:s16+$0x810 ss:$0x81] =	vst.msk $0xffff, v1  }
0x3c: {  	s13 =	sshrl.u32 s13, $0x2;
	v1 =	vld [tilespmem:s14+$0xFFFFFFC0];
	[tilespmem:s16+$0x1020 ss:$0x81] =	vst.msk $0xffff, v5;
	s14 =	sadd.s32 $0x80, s14  }
0x3d: {  	s17 =	simm.s32 $0x4;
	s18 =	simm.s32 $0x8;
	s13 =	sor.u32 $0x8000, s13;
	[tilespmem:s16+$0x1830 ss:$0x81] =	vst.msk $0xffff, v6;
	v0 =	vld [tilespmem:s14+$0x30]  }
.LBB1_3:
0x3e: {  	p1 =	sne.s32 s18, $0x1FC;
	v5 =	vld [tilespmem:s14+$0xFFFFFFD0];
	[tilespmem:s16+$0x2040 ss:$0x81] =	vst.msk $0xffff, v2  }
0x3f: {  	v6 =	vld [tilespmem:s14+$0xFFFFFFE0];
	[tilespmem:s16+$0x2850 ss:$0x81] =	vst.msk $0xffff, v4  }
0x40: {  	s19 =	sshra.s32 s17, $0x2;
	s17 =	smov.u32 s18;
	v7 =	vld [tilespmem:s14+$0xFFFFFFF0];
	[tilespmem:s16+$0x3060 ss:$0x81] =	vst.msk $0xffff, v3  }
.Ltmp3:
0x41: {  	v2 =	vld [tilespmem:s14+$0x0];
	[tilespmem:s16+$0x0 ss:$0x81] =	vst.msk $0xffff, v1;
	s16 =	sadd.s32 s19, s15;
	(pc) =	sbr.rel @p1 .LBB1_3-.Ltmp3, $4  }
0x42: {  	v4 =	vld [tilespmem:s14+$0x10];
	[tilespmem:s16+$0x3870 ss:$0x81] =	vst.msk $0xffff, v0  }
0x43: {  	[tilespmem:s16+$0x810 ss:$0x81] =	vst.msk $0xffff, v5;
	v3 =	vld [tilespmem:s14+$0x20]  }
0x44: {  	v1 =	vld [tilespmem:s14+$0xFFFFFFC0];
	[tilespmem:s16+$0x1020 ss:$0x81] =	vst.msk $0xffff, v6;
	s14 =	sadd.s32 $0x80, s14  }
0x45: {  	s18 =	sadd.s32 $0x4, s18;
	v0 =	vld [tilespmem:s14+$0x30];
	[tilespmem:s16+$0x1830 ss:$0x81] =	vst.msk $0xffff, v7  }
.Ltmp4:
0x46: {  	_ = 	snop;
	(pc) =	sbr.rel .LBB1_4-.Ltmp4, $1  }
0x47: {  	_ =	sdelay $0x3  }
.LBB1_6:
0x48: {  	_ =	sfence.sel $0x180000  }
0x49: {  	s2 =	simm.s32 $0x1;
	[bflag:$0x0] =	sbarrier.arrive $0xFFFF  }
0x4a: {  	s31 =	simm.s32 $0x2;
	[sflag:s2] =	ssyncpa.u1 $0x1  }
0x4b: {  	[sflag:s31] =	ssyncpa.u1 $0x1  }
0x4c: {  	p0 =	sne.s32 s0, $0x0;
	_ =	strace $0x9000004A  }
0x4d: {  	s0 =	sadd.s32 @!p0 $0x100000, s1;
	[bflag:$0x2] =	sbarrier.arrive $0xFFFF  }
0x4e: {  	[sflag:s0] =	ssyncadd.tile.s32 @!p0 $0x1;
	_ =	shalt  }
.Lfunc_end1:
_tile_overlayer_lowered:
.L_overlay_start_2:
0x4f: {  	(tag) =	ssettag $0x2  }
0x50: {  	s0 =	rddreg [dreg:$0x0];
	s2 =	stileid.u32  }
0x51: {  	s1 =	rddreg [dreg:$0x1];
	p0 =	sne.s32 s2, $0x0  }
0x52: {  	s3 =	rddreg [dreg:$0x2];
	[bflag:$0x3] =	sbarrier.arrive $0xFFFF;
	s2 =	simm.s32 @!p0 $0x1C01  }
0x53: {  	[timem:s3], [sflag:s2] =	dma.local @!p0 [hbm:s0], s1  }
0x54: {  	s0 =	simm.s32 @!p0 $0x1  }
0x55: {  	_ =	swait.ge @!p0 [sflag:s0], s1  }
0x56: {  	s1 =	ssub.s32 @!p0 $0x0, s1;
	[sflag:s0] =	ssyncset.done @!p0 $0x0  }
0x57: {  	[sflag:s0] =	ssyncadd.s32 @!p0 s1  }
0x58: {  	[bflag:$0x3] =	sbarrier.arrive $0xFFFF  }
0x59: {  	_ =	shalt  }

</sc_bundles>
